<compile_context>
chip_gen: v7x
topology: tpu7x:2x2x1
jax: 0.10.2.dev20260603
libtpu: 0.0.44.dev20260713+nightly
codegen_flags: <defaults>
</compile_context>

<pallas_src>
import functools

import jax
import jax.numpy as jnp
from jax import lax
from jax.experimental import pallas as pl
from jax.experimental.pallas import tpu as pltpu
from jax.experimental.pallas import tpu_sc as plsc

CODEBOOK = 1024
EMB = 256
B = 8
TOK = 1024
BETA = 0.25
N_TOKENS = B * TOK
N_ELEMS = N_TOKENS * EMB

NC = 2
NS = 16
NW = NC * NS
CH_PER_W = EMB // NW
TOK_PER_W = N_TOKENS // NW
L = 16


def _dist_body(z_ref, w_ref, idx_ref, z2s_ref, sqs_ref, zrs_ref):
    s = pl.program_id(0)
    zb = z_ref[0]
    w = w_ref[...]

    w2x = w + w
    m2 = jax.lax.dot_general(w2x, zb, (((1,), (0,)), ((), ())),
                             preferred_element_type=jnp.float32)
    z2 = jnp.sum(zb * zb, axis=0, keepdims=True)
    w2 = jnp.sum(w * w, axis=1, keepdims=True)
    d = (z2 + w2) - m2

    minv = jnp.min(d, axis=0, keepdims=True)
    ci = jax.lax.broadcasted_iota(jnp.int32, (CODEBOOK, TOK), 0)
    big = jnp.int32(1 << 30)
    idx = jnp.min(jnp.where(d == minv, ci, big), axis=0, keepdims=True)
    idx_ref[0] = idx

    z2s = jnp.sum(z2)
    sq = jnp.sum(minv)
    zrs = jnp.sum(zb, axis=1, keepdims=True)

    @pl.when(s == 0)
    def _init():
        z2s_ref[0, 0] = z2s
        sqs_ref[0, 0] = sq
        zrs_ref[...] = zrs

    @pl.when(s > 0)
    def _acc():
        z2s_ref[0, 0] += z2s
        sqs_ref[0, 0] += sq
        zrs_ref[...] += zrs


def _sc_gather_body(wt_hbm, idx_hbm, out_hbm, hist_hbm,
                    wt_v, idx_v, outbuf, hist2d, histsum):
    c = lax.axis_index("c")
    s = lax.axis_index("s")
    wid = s * NC + c
    ch0 = wid * CH_PER_W

    pltpu.sync_copy(wt_hbm.at[pl.ds(ch0 * CODEBOOK, CH_PER_W * CODEBOOK)], wt_v)
    pltpu.sync_copy(idx_hbm, idx_v)

    zeros16 = jnp.zeros((L,), jnp.float32)
    ones16 = jnp.ones((L,), jnp.float32)
    lane = lax.iota(jnp.int32, L)

    def _zero(j, carry):
        hist2d[pl.ds(j * L, L)] = zeros16
        return carry
    lax.fori_loop(0, L * CODEBOOK // L, _zero, 0)

    def _hist(j, carry):
        iv = idx_v[pl.ds(wid * TOK_PER_W + j * L, L)]
        plsc.addupdate_scatter(hist2d, [lane * jnp.int32(CODEBOOK) + iv], ones16)
        return carry
    lax.fori_loop(0, TOK_PER_W // L, _hist, 0)

    def _hsum(j, carry):
        acc = hist2d[pl.ds(j * L, L)]
        for r in range(1, L):
            acc = acc + hist2d[pl.ds(r * CODEBOOK + j * L, L)]
        histsum[pl.ds(j * L, L)] = acc
        return carry
    lax.fori_loop(0, CODEBOOK // L, _hsum, 0)
    pltpu.sync_copy(histsum, hist_hbm.at[pl.ds(wid * CODEBOOK, CODEBOOK)])

    for b in range(B):
        def _gather(j, carry):
            iv = idx_v[pl.ds(b * TOK + j * L, L)]
            for k in range(CH_PER_W):
                row = plsc.load_gather(wt_v, [iv + jnp.int32(k * CODEBOOK)])
                outbuf[pl.ds(k * TOK + j * L, L)] = row
            return carry
        lax.fori_loop(0, TOK // L, _gather, 0)
        pltpu.sync_copy(outbuf,
                        out_hbm.at[pl.ds(b * EMB * TOK + ch0 * TOK,
                                         CH_PER_W * TOK)])


def _final_body(hist_ref, w_ref, zrs_ref, z2s_ref, sqs_ref,
                loss_ref, perp_ref, md_ref):
    w = w_ref[...]
    counts = jnp.sum(hist_ref[...], axis=0, keepdims=True)
    e = counts / jnp.float32(N_TOKENS)
    ent = jnp.sum(e * jnp.log(e + jnp.float32(1e-10)))
    perp_ref[0, 0] = jnp.exp(-ent)

    msq = sqs_ref[0, 0] / jnp.float32(N_ELEMS)
    loss_ref[0, 0] = jnp.float32(BETA) * msq + msq

    w2s = jnp.sum(w * w)
    wcs = jnp.sum(w + w, axis=0, keepdims=True)
    m2s = jax.lax.dot_general(wcs, zrs_ref[...], (((1,), (0,)), ((), ())),
                              preferred_element_type=jnp.float32)
    dsum = (jnp.float32(CODEBOOK) * (z2s_ref[0, 0]
                                     + jnp.float32(N_TOKENS) * w2s)
            - m2s[0, 0])
    md_ref[0, 0] = dsum / jnp.float32(N_TOKENS * CODEBOOK)


@functools.partial(jax.jit, static_argnames=("interpret",))
def kernel(z, W, interpret=False):
    z3 = z.reshape(B, EMB, TOK)

    idx, z2s, sqs, zrs = pl.pallas_call(
        _dist_body,
        grid=(B,),
        in_specs=[
            pl.BlockSpec((1, EMB, TOK), lambda s: (s, 0, 0)),
            pl.BlockSpec((CODEBOOK, EMB), lambda s: (0, 0)),
        ],
        out_specs=(
            pl.BlockSpec((1, 1, TOK), lambda s: (s, 0, 0)),
            pl.BlockSpec(memory_space=pltpu.SMEM),
            pl.BlockSpec(memory_space=pltpu.SMEM),
            pl.BlockSpec((EMB, 1), lambda s: (0, 0)),
        ),
        out_shape=(
            jax.ShapeDtypeStruct((B, 1, TOK), jnp.int32),
            jax.ShapeDtypeStruct((1, 1), jnp.float32),
            jax.ShapeDtypeStruct((1, 1), jnp.float32),
            jax.ShapeDtypeStruct((EMB, 1), jnp.float32),
        ),
        interpret=interpret,
    )(z3, W)

    idxf = idx.reshape(N_TOKENS)
    mesh = plsc.VectorSubcoreMesh(core_axis_name="c", subcore_axis_name="s",
                                  num_cores=NC, num_subcores=NS)
    zq, hist = pl.kernel(
        _sc_gather_body,
        out_type=(
            jax.ShapeDtypeStruct((B * EMB * TOK,), jnp.float32),
            jax.ShapeDtypeStruct((NW * CODEBOOK,), jnp.float32),
        ),
        mesh=mesh,
        scratch_types=(
            pltpu.VMEM((EMB * CODEBOOK // NW,), jnp.float32),
            pltpu.VMEM((N_TOKENS,), jnp.int32),
            pltpu.VMEM((CH_PER_W * TOK,), jnp.float32),
            pltpu.VMEM((L * CODEBOOK,), jnp.float32),
            pltpu.VMEM((CODEBOOK,), jnp.float32),
        ),
        compiler_params=pltpu.CompilerParams(needs_layout_passes=False),
        interpret=interpret,
    )(W.T.reshape(-1), idxf)
    hist = hist.reshape(NW, CODEBOOK)

    loss, perp, md = pl.pallas_call(
        _final_body,
        grid=(1,),
        in_specs=[
            pl.BlockSpec((NW, CODEBOOK), lambda i: (0, 0)),
            pl.BlockSpec((CODEBOOK, EMB), lambda i: (0, 0)),
            pl.BlockSpec((EMB, 1), lambda i: (0, 0)),
            pl.BlockSpec(memory_space=pltpu.SMEM),
            pl.BlockSpec(memory_space=pltpu.SMEM),
        ],
        out_specs=(
            pl.BlockSpec(memory_space=pltpu.SMEM),
            pl.BlockSpec(memory_space=pltpu.SMEM),
            pl.BlockSpec(memory_space=pltpu.SMEM),
        ),
        out_shape=(
            jax.ShapeDtypeStruct((1, 1), jnp.float32),
            jax.ShapeDtypeStruct((1, 1), jnp.float32),
            jax.ShapeDtypeStruct((1, 1), jnp.float32),
        ),
        interpret=interpret,
    )(hist, W, zrs, z2s, sqs)

    z_q = zq.reshape(B, EMB, 32, 32)
    min_encoding_indices = idxf.reshape(N_TOKENS, 1)
    return (z_q, loss[0, 0], perp[0, 0], md[0, 0], min_encoding_indices)

# --- scband reference (transcript-rebuilt; emitter-appended) ---
"""Pipeline reference for scband-vector-quantizer-73315091743020 (READ-ONLY COPY).

The authoritative reference and input builder live on the scoring server;
editing this copy changes nothing except your own understanding.
"""

import jax, jax.numpy as jnp
import numpy as np

CODEBOOK_SIZE = 1024
EMB_DIM = 256
BETA = 0.25


def setup_inputs(seed: int = 0) -> dict:
    key = jax.random.key(seed)
    k1, k2 = jax.random.split(key)
    z = jax.random.normal(k1, (8, EMB_DIM, 32, 32), dtype=jnp.float32)
    W = jax.random.uniform(k2, (CODEBOOK_SIZE, EMB_DIM), dtype=jnp.float32,
                           minval=-1.0 / CODEBOOK_SIZE, maxval=1.0 / CODEBOOK_SIZE)
    return {"z": z, "W": W}


def reference(z, W):
    # z: [B, C, H, W] -> [B, H, W, C]
    zp = jnp.transpose(z, (0, 2, 3, 1))
    z_flat = zp.reshape(-1, EMB_DIM)
    # squared L2 distances to every codebook entry
    d = (jnp.sum(z_flat ** 2, axis=1, keepdims=True)
         + jnp.sum(W ** 2, axis=1)
         - 2.0 * jnp.matmul(z_flat, W.T))
    mean_distance = jnp.mean(d)
    min_encoding_indices = jnp.argmin(d, axis=1)[:, None]
    min_encodings = jax.nn.one_hot(min_encoding_indices[:, 0], CODEBOOK_SIZE, dtype=zp.dtype)
    z_q = jnp.matmul(min_encodings, W).reshape(zp.shape)
    loss = (BETA * jnp.mean((jax.lax.stop_gradient(z_q) - zp) ** 2)
            + jnp.mean((z_q - jax.lax.stop_gradient(zp)) ** 2))
    # straight-through estimator
    z_q = zp + jax.lax.stop_gradient(z_q - zp)
    e_mean = jnp.mean(min_encodings, axis=0)
    perplexity = jnp.exp(-jnp.sum(e_mean * jnp.log(e_mean + 1e-10)))
    z_q = jnp.transpose(z_q, (0, 3, 1, 2))
    return (z_q, loss, perplexity, mean_distance, min_encoding_indices)

if __name__ == "__main__":
    import jax
    _d = setup_inputs()
    print(jax.jit(kernel)(*tuple(_d.values())))

</pallas_src>

<mosaic_0001>
#map = affine_map<(d0, d1) -> (0)>
module attributes {stable_mosaic.version = 14 : i64} {
  func.func @_sc_gather_body(%arg0: i32, %arg1: i32, %arg2: memref<262144xf32, #tpu.memory_space<hbm>>, %arg3: memref<8192xi32, #tpu.memory_space<hbm>>, %arg4: memref<2097152xf32, #tpu.memory_space<hbm>>, %arg5: memref<32768xf32, #tpu.memory_space<hbm>>, %arg6: memref<8192xf32, #tpu.memory_space<vmem>>, %arg7: memref<8192xi32, #tpu.memory_space<vmem>>, %arg8: memref<8192xf32, #tpu.memory_space<vmem>>, %arg9: memref<16384xf32, #tpu.memory_space<vmem>>, %arg10: memref<1024xf32, #tpu.memory_space<vmem>>) attributes {dimension_semantics = [#tpu.dimension_semantics<core_parallel>, #tpu.dimension_semantics<subcore_parallel>], iteration_bounds = array<i64: 2, 16>, scalar_prefetch = 0 : i64, scratch_operands = 5 : i64, tpu.core_type = #tpu.core_type<sc_vector_subcore>, window_params = [{transform_indices = #map}, {transform_indices = #map}, {transform_indices = #map}, {transform_indices = #map}]} {
    %mul3A = arith.constant 2 : i32
    %mul3A_0 = arith.muli %arg1, %mul3A : i32
    %add3A = arith.addi %mul3A_0, %arg0 : i32
    %mul3A_1 = arith.constant 8 : i32
    %mul3A_2 = arith.muli %add3A, %mul3A_1 : i32
    %mul3A_3 = arith.constant 1024 : i32
    %mul3A_4 = arith.muli %mul3A_2, %mul3A_3 : i32
    "tpu.region"() ({
      %run_scoped3A = tpu.sem_alloc : memref<!tpu.dma_semaphore, #tpu.memory_space<semaphore_mem>>
      %dma_start3A = tpu.memref_slice %arg2[%mul3A_4] : memref<262144xf32, #tpu.memory_space<hbm>> -> memref<8192xf32, #tpu.memory_space<hbm>>
      %dma_start3A_107 = tpu.memref_slice %arg2[%mul3A_4] : memref<262144xf32, #tpu.memory_space<hbm>> -> memref<8192xf32, #tpu.memory_space<hbm>>
      tpu.enqueue_dma source(%dma_start3A_107 : memref<8192xf32, #tpu.memory_space<hbm>>) target(%arg6 : memref<8192xf32, #tpu.memory_space<vmem>>) target_semaphore(%run_scoped3A : memref<!tpu.dma_semaphore, #tpu.memory_space<semaphore_mem>>)
      %dma_wait3A = tpu.memref_slice %arg2[%mul3A_4] : memref<262144xf32, #tpu.memory_space<hbm>> -> memref<8192xf32, #tpu.memory_space<hbm>>
      %dma_wait3A_108 = tpu.memref_slice %arg2[%mul3A_4] : memref<262144xf32, #tpu.memory_space<hbm>> -> memref<8192xf32, #tpu.memory_space<hbm>>
      tpu.wait_dma2 semaphore(%run_scoped3A : memref<!tpu.dma_semaphore, #tpu.memory_space<semaphore_mem>>) src(%dma_wait3A_108 : memref<8192xf32, #tpu.memory_space<hbm>>) dst(%arg6 : memref<8192xf32, #tpu.memory_space<vmem>>)
      tpu.yield
    }) : () -> ()
    "tpu.region"() ({
      %run_scoped3A = tpu.sem_alloc : memref<!tpu.dma_semaphore, #tpu.memory_space<semaphore_mem>>
      tpu.enqueue_dma source(%arg3 : memref<8192xi32, #tpu.memory_space<hbm>>) target(%arg7 : memref<8192xi32, #tpu.memory_space<vmem>>) target_semaphore(%run_scoped3A : memref<!tpu.dma_semaphore, #tpu.memory_space<semaphore_mem>>)
      tpu.wait_dma2 semaphore(%run_scoped3A : memref<!tpu.dma_semaphore, #tpu.memory_space<semaphore_mem>>) src(%arg3 : memref<8192xi32, #tpu.memory_space<hbm>>) dst(%arg7 : memref<8192xi32, #tpu.memory_space<vmem>>)
      tpu.yield
    }) : () -> ()
    %broadcast_in_dim3A = arith.constant 0.000000e+00 : f32
    %broadcast_in_dim3A_5 = vector.broadcast %broadcast_in_dim3A : f32 to vector<16xf32>
    %broadcast_in_dim3A_6 = arith.constant 1.000000e+00 : f32
    %broadcast_in_dim3A_7 = vector.broadcast %broadcast_in_dim3A_6 : f32 to vector<16xf32>
    %iota3A = tpu.iota {dimensions = array<i32: 0>} : vector<16xi32>
    %scan3A = arith.constant 0 : i32
    %scan3A_8 = arith.constant 0 : i32
    %scan3A_9 = arith.constant 1024 : i32
    %scan3A_10 = arith.addi %scan3A_8, %scan3A_9 : i32
    %scan3A_11 = arith.constant 1 : i32
    scf.for %scan3A_107 = %scan3A_8 to %scan3A_10 step %scan3A_11  : i32 {
      %mul3A_108 = arith.constant 16 : i32
      %mul3A_109 = arith.muli %scan3A_107, %mul3A_108 : i32
      %swap3A = arith.index_cast %mul3A_109 : i32 to index
      %swap3A_110 = tpu.vector_load %arg9[%swap3A] {strides = array<i32>} : memref<16384xf32, #tpu.memory_space<vmem>>, vector<16xf32>,
      tpu.vector_store %arg9[%swap3A], %broadcast_in_dim3A_5 {strides = array<i32>} : memref<16384xf32, #tpu.memory_space<vmem>>, vector<16xf32>,
    }
    %scan3A_12 = arith.constant 1024 : i32
    %scan3A_13 = arith.constant 0 : i32
    %scan3A_14 = arith.constant 0 : i32
    %scan3A_15 = arith.constant 16 : i32
    %scan3A_16 = arith.addi %scan3A_14, %scan3A_15 : i32
    %scan3A_17 = arith.constant 1 : i32
    scf.for %scan3A_107 = %scan3A_14 to %scan3A_16 step %scan3A_17  : i32 {
      %mul3A_108 = arith.constant 256 : i32
      %mul3A_109 = arith.muli %add3A, %mul3A_108 : i32
      %mul3A_110 = arith.constant 16 : i32
      %mul3A_111 = arith.muli %scan3A_107, %mul3A_110 : i32
      %add3A_112 = arith.addi %mul3A_109, %mul3A_111 : i32
      %get3A = arith.index_cast %add3A_112 : i32 to index
      %get3A_113 = tpu.vector_load %arg7[%get3A] {strides = array<i32>} : memref<8192xi32, #tpu.memory_space<vmem>>, vector<16xi32>,
      %mul3A_114 = arith.constant 1024 : i32
      %mul3A_115 = vector.broadcast %mul3A_114 : i32 to vector<16xi32>
      %mul3A_116 = arith.muli %iota3A, %mul3A_115 : vector<16xi32>
      %add3A_117 = arith.addi %mul3A_116, %get3A_113 : vector<16xi32>
      tpu.vector_store_idx %arg9[%add3A_117], %broadcast_in_dim3A_7 {add = true} : memref<16384xf32, #tpu.memory_space<vmem>>[vector<16xi32>], vector<16xf32>,
    }
    %scan3A_18 = arith.constant 16 : i32
    %scan3A_19 = arith.constant 0 : i32
    %scan3A_20 = arith.constant 0 : i32
    %scan3A_21 = arith.constant 64 : i32
    %scan3A_22 = arith.addi %scan3A_20, %scan3A_21 : i32
    %scan3A_23 = arith.constant 1 : i32
    scf.for %scan3A_107 = %scan3A_20 to %scan3A_22 step %scan3A_23  : i32 {
      %mul3A_108 = arith.constant 16 : i32
      %mul3A_109 = arith.muli %scan3A_107, %mul3A_108 : i32
      %get3A = arith.index_cast %mul3A_109 : i32 to index
      %get3A_110 = tpu.vector_load %arg9[%get3A] {strides = array<i32>} : memref<16384xf32, #tpu.memory_space<vmem>>, vector<16xf32>,
      %mul3A_111 = arith.constant 16 : i32
      %mul3A_112 = arith.muli %scan3A_107, %mul3A_111 : i32
      %add3A_113 = arith.constant 1024 : i32
      %add3A_114 = arith.addi %add3A_113, %mul3A_112 : i32
      %get3A_115 = arith.index_cast %add3A_114 : i32 to index
      %get3A_116 = tpu.vector_load %arg9[%get3A_115] {strides = array<i32>} : memref<16384xf32, #tpu.memory_space<vmem>>, vector<16xf32>,
      %add3A_117 = arith.addf %get3A_110, %get3A_116 : vector<16xf32>
      %mul3A_118 = arith.constant 16 : i32
      %mul3A_119 = arith.muli %scan3A_107, %mul3A_118 : i32
      %add3A_120 = arith.constant 2048 : i32
      %add3A_121 = arith.addi %add3A_120, %mul3A_119 : i32
      %get3A_122 = arith.index_cast %add3A_121 : i32 to index
      %get3A_123 = tpu.vector_load %arg9[%get3A_122] {strides = array<i32>} : memref<16384xf32, #tpu.memory_space<vmem>>, vector<16xf32>,
      %add3A_124 = arith.addf %add3A_117, %get3A_123 : vector<16xf32>
      %mul3A_125 = arith.constant 16 : i32
      %mul3A_126 = arith.muli %scan3A_107, %mul3A_125 : i32
      %add3A_127 = arith.constant 3072 : i32
      %add3A_128 = arith.addi %add3A_127, %mul3A_126 : i32
      %get3A_129 = arith.index_cast %add3A_128 : i32 to index
      %get3A_130 = tpu.vector_load %arg9[%get3A_129] {strides = array<i32>} : memref<16384xf32, #tpu.memory_space<vmem>>, vector<16xf32>,
      %add3A_131 = arith.addf %add3A_124, %get3A_130 : vector<16xf32>
      %mul3A_132 = arith.constant 16 : i32
      %mul3A_133 = arith.muli %scan3A_107, %mul3A_132 : i32
      %add3A_134 = arith.constant 4096 : i32
      %add3A_135 = arith.addi %add3A_134, %mul3A_133 : i32
      %get3A_136 = arith.index_cast %add3A_135 : i32 to index
      %get3A_137 = tpu.vector_load %arg9[%get3A_136] {strides = array<i32>} : memref<16384xf32, #tpu.memory_space<vmem>>, vector<16xf32>,
      %add3A_138 = arith.addf %add3A_131, %get3A_137 : vector<16xf32>
      %mul3A_139 = arith.constant 16 : i32
      %mul3A_140 = arith.muli %scan3A_107, %mul3A_139 : i32
      %add3A_141 = arith.constant 5120 : i32
      %add3A_142 = arith.addi %add3A_141, %mul3A_140 : i32
      %get3A_143 = arith.index_cast %add3A_142 : i32 to index
      %get3A_144 = tpu.vector_load %arg9[%get3A_143] {strides = array<i32>} : memref<16384xf32, #tpu.memory_space<vmem>>, vector<16xf32>,
      %add3A_145 = arith.addf %add3A_138, %get3A_144 : vector<16xf32>
      %mul3A_146 = arith.constant 16 : i32
      %mul3A_147 = arith.muli %scan3A_107, %mul3A_146 : i32
      %add3A_148 = arith.constant 6144 : i32
      %add3A_149 = arith.addi %add3A_148, %mul3A_147 : i32
      %get3A_150 = arith.index_cast %add3A_149 : i32 to index
      %get3A_151 = tpu.vector_load %arg9[%get3A_150] {strides = array<i32>} : memref<16384xf32, #tpu.memory_space<vmem>>, vector<16xf32>,
      %add3A_152 = arith.addf %add3A_145, %get3A_151 : vector<16xf32>
      %mul3A_153 = arith.constant 16 : i32
      %mul3A_154 = arith.muli %scan3A_107, %mul3A_153 : i32
      %add3A_155 = arith.constant 7168 : i32
      %add3A_156 = arith.addi %add3A_155, %mul3A_154 : i32
      %get3A_157 = arith.index_cast %add3A_156 : i32 to index
      %get3A_158 = tpu.vector_load %arg9[%get3A_157] {strides = array<i32>} : memref<16384xf32, #tpu.memory_space<vmem>>, vector<16xf32>,
      %add3A_159 = arith.addf %add3A_152, %get3A_158 : vector<16xf32>
      %mul3A_160 = arith.constant 16 : i32
      %mul3A_161 = arith.muli %scan3A_107, %mul3A_160 : i32
      %add3A_162 = arith.constant 8192 : i32
      %add3A_163 = arith.addi %add3A_162, %mul3A_161 : i32
      %get3A_164 = arith.index_cast %add3A_163 : i32 to index
      %get3A_165 = tpu.vector_load %arg9[%get3A_164] {strides = array<i32>} : memref<16384xf32, #tpu.memory_space<vmem>>, vector<16xf32>,
      %add3A_166 = arith.addf %add3A_159, %get3A_165 : vector<16xf32>
      %mul3A_167 = arith.constant 16 : i32
      %mul3A_168 = arith.muli %scan3A_107, %mul3A_167 : i32
      %add3A_169 = arith.constant 9216 : i32
      %add3A_170 = arith.addi %add3A_169, %mul3A_168 : i32
      %get3A_171 = arith.index_cast %add3A_170 : i32 to index
      %get3A_172 = tpu.vector_load %arg9[%get3A_171] {strides = array<i32>} : memref<16384xf32, #tpu.memory_space<vmem>>, vector<16xf32>,
      %add3A_173 = arith.addf %add3A_166, %get3A_172 : vector<16xf32>
      %mul3A_174 = arith.constant 16 : i32
      %mul3A_175 = arith.muli %scan3A_107, %mul3A_174 : i32
      %add3A_176 = arith.constant 10240 : i32
      %add3A_177 = arith.addi %add3A_176, %mul3A_175 : i32
      %get3A_178 = arith.index_cast %add3A_177 : i32 to index
      %get3A_179 = tpu.vector_load %arg9[%get3A_178] {strides = array<i32>} : memref<16384xf32, #tpu.memory_space<vmem>>, vector<16xf32>,
      %add3A_180 = arith.addf %add3A_173, %get3A_179 : vector<16xf32>
      %mul3A_181 = arith.constant 16 : i32
      %mul3A_182 = arith.muli %scan3A_107, %mul3A_181 : i32
      %add3A_183 = arith.constant 11264 : i32
      %add3A_184 = arith.addi %add3A_183, %mul3A_182 : i32
      %get3A_185 = arith.index_cast %add3A_184 : i32 to index
      %get3A_186 = tpu.vector_load %arg9[%get3A_185] {strides = array<i32>} : memref<16384xf32, #tpu.memory_space<vmem>>, vector<16xf32>,
      %add3A_187 = arith.addf %add3A_180, %get3A_186 : vector<16xf32>
      %mul3A_188 = arith.constant 16 : i32
      %mul3A_189 = arith.muli %scan3A_107, %mul3A_188 : i32
      %add3A_190 = arith.constant 12288 : i32
      %add3A_191 = arith.addi %add3A_190, %mul3A_189 : i32
      %get3A_192 = arith.index_cast %add3A_191 : i32 to index
      %get3A_193 = tpu.vector_load %arg9[%get3A_192] {strides = array<i32>} : memref<16384xf32, #tpu.memory_space<vmem>>, vector<16xf32>,
      %add3A_194 = arith.addf %add3A_187, %get3A_193 : vector<16xf32>
      %mul3A_195 = arith.constant 16 : i32
      %mul3A_196 = arith.muli %scan3A_107, %mul3A_195 : i32
      %add3A_197 = arith.constant 13312 : i32
      %add3A_198 = arith.addi %add3A_197, %mul3A_196 : i32
      %get3A_199 = arith.index_cast %add3A_198 : i32 to index
      %get3A_200 = tpu.vector_load %arg9[%get3A_199] {strides = array<i32>} : memref<16384xf32, #tpu.memory_space<vmem>>, vector<16xf32>,
      %add3A_201 = arith.addf %add3A_194, %get3A_200 : vector<16xf32>
      %mul3A_202 = arith.constant 16 : i32
      %mul3A_203 = arith.muli %scan3A_107, %mul3A_202 : i32
      %add3A_204 = arith.constant 14336 : i32
      %add3A_205 = arith.addi %add3A_204, %mul3A_203 : i32
      %get3A_206 = arith.index_cast %add3A_205 : i32 to index
      %get3A_207 = tpu.vector_load %arg9[%get3A_206] {strides = array<i32>} : memref<16384xf32, #tpu.memory_space<vmem>>, vector<16xf32>,
      %add3A_208 = arith.addf %add3A_201, %get3A_207 : vector<16xf32>
      %mul3A_209 = arith.constant 16 : i32
      %mul3A_210 = arith.muli %scan3A_107, %mul3A_209 : i32
      %add3A_211 = arith.constant 15360 : i32
      %add3A_212 = arith.addi %add3A_211, %mul3A_210 : i32
      %get3A_213 = arith.index_cast %add3A_212 : i32 to index
      %get3A_214 = tpu.vector_load %arg9[%get3A_213] {strides = array<i32>} : memref<16384xf32, #tpu.memory_space<vmem>>, vector<16xf32>,
      %add3A_215 = arith.addf %add3A_208, %get3A_214 : vector<16xf32>
      %mul3A_216 = arith.constant 16 : i32
      %mul3A_217 = arith.muli %scan3A_107, %mul3A_216 : i32
      %swap3A = arith.index_cast %mul3A_217 : i32 to index
      %swap3A_218 = tpu.vector_load %arg10[%swap3A] {strides = array<i32>} : memref<1024xf32, #tpu.memory_space<vmem>>, vector<16xf32>,
      tpu.vector_store %arg10[%swap3A], %add3A_215 {strides = array<i32>} : memref<1024xf32, #tpu.memory_space<vmem>>, vector<16xf32>,
    }
    %scan3A_24 = arith.constant 64 : i32
    %mul3A_25 = arith.constant 1024 : i32
    %mul3A_26 = arith.muli %add3A, %mul3A_25 : i32
    "tpu.region"() ({
      %run_scoped3A = tpu.sem_alloc : memref<!tpu.dma_semaphore, #tpu.memory_space<semaphore_mem>>
      %dma_start3A = tpu.memref_slice %arg5[%mul3A_26] : memref<32768xf32, #tpu.memory_space<hbm>> -> memref<1024xf32, #tpu.memory_space<hbm>>
      %dma_start3A_107 = tpu.memref_slice %arg5[%mul3A_26] : memref<32768xf32, #tpu.memory_space<hbm>> -> memref<1024xf32, #tpu.memory_space<hbm>>
      tpu.enqueue_dma source(%arg10 : memref<1024xf32, #tpu.memory_space<vmem>>) target(%dma_start3A_107 : memref<1024xf32, #tpu.memory_space<hbm>>) target_semaphore(%run_scoped3A : memref<!tpu.dma_semaphore, #tpu.memory_space<semaphore_mem>>)
      %dma_wait3A = tpu.memref_slice %arg5[%mul3A_26] : memref<32768xf32, #tpu.memory_space<hbm>> -> memref<1024xf32, #tpu.memory_space<hbm>>
      %dma_wait3A_108 = tpu.memref_slice %arg5[%mul3A_26] : memref<32768xf32, #tpu.memory_space<hbm>> -> memref<1024xf32, #tpu.memory_space<hbm>>
      tpu.wait_dma2 semaphore(%run_scoped3A : memref<!tpu.dma_semaphore, #tpu.memory_space<semaphore_mem>>) src(%arg10 : memref<1024xf32, #tpu.memory_space<vmem>>) dst(%dma_wait3A_108 : memref<1024xf32, #tpu.memory_space<hbm>>)
      tpu.yield
    }) : () -> ()
    %scan3A_27 = arith.constant 0 : i32
    %scan3A_28 = arith.constant 0 : i32
    %scan3A_29 = arith.constant 64 : i32
    %scan3A_30 = arith.addi %scan3A_28, %scan3A_29 : i32
    %scan3A_31 = arith.constant 1 : i32
    scf.for %scan3A_107 = %scan3A_28 to %scan3A_30 step %scan3A_31  : i32 {
      %mul3A_108 = arith.constant 16 : i32
      %mul3A_109 = arith.muli %scan3A_107, %mul3A_108 : i32
      %add3A_110 = arith.constant 0 : i32
      %add3A_111 = arith.addi %add3A_110, %mul3A_109 : i32
      %get3A = arith.index_cast %add3A_111 : i32 to index
      %get3A_112 = tpu.vector_load %arg7[%get3A] {strides = array<i32>} : memref<8192xi32, #tpu.memory_space<vmem>>, vector<16xi32>,
      %add3A_113 = arith.constant 0 : i32
      %add3A_114 = vector.broadcast %add3A_113 : i32 to vector<16xi32>
      %add3A_115 = arith.addi %get3A_112, %add3A_114 : vector<16xi32>
      %gather3A = tpu.vector_load_idx %arg6[%add3A_115] : memref<8192xf32, #tpu.memory_space<vmem>>[vector<16xi32>], vector<16xf32>,
      %mul3A_116 = arith.constant 16 : i32
      %mul3A_117 = arith.muli %scan3A_107, %mul3A_116 : i32
      %add3A_118 = arith.constant 0 : i32
      %add3A_119 = arith.addi %add3A_118, %mul3A_117 : i32
      %swap3A = arith.index_cast %add3A_119 : i32 to index
      %swap3A_120 = tpu.vector_load %arg8[%swap3A] {strides = array<i32>} : memref<8192xf32, #tpu.memory_space<vmem>>, vector<16xf32>,
      tpu.vector_store %arg8[%swap3A], %gather3A {strides = array<i32>} : memref<8192xf32, #tpu.memory_space<vmem>>, vector<16xf32>,
      %add3A_121 = arith.constant 1024 : i32
      %add3A_122 = vector.broadcast %add3A_121 : i32 to vector<16xi32>
      %add3A_123 = arith.addi %get3A_112, %add3A_122 : vector<16xi32>
      %gather3A_124 = tpu.vector_load_idx %arg6[%add3A_123] : memref<8192xf32, #tpu.memory_space<vmem>>[vector<16xi32>], vector<16xf32>,
      %mul3A_125 = arith.constant 16 : i32
      %mul3A_126 = arith.muli %scan3A_107, %mul3A_125 : i32
      %add3A_127 = arith.constant 1024 : i32
      %add3A_128 = arith.addi %add3A_127, %mul3A_126 : i32
      %swap3A_129 = arith.index_cast %add3A_128 : i32 to index
      %swap3A_130 = tpu.vector_load %arg8[%swap3A_129] {strides = array<i32>} : memref<8192xf32, #tpu.memory_space<vmem>>, vector<16xf32>,
      tpu.vector_store %arg8[%swap3A_129], %gather3A_124 {strides = array<i32>} : memref<8192xf32, #tpu.memory_space<vmem>>, vector<16xf32>,
      %add3A_131 = arith.constant 2048 : i32
      %add3A_132 = vector.broadcast %add3A_131 : i32 to vector<16xi32>
      %add3A_133 = arith.addi %get3A_112, %add3A_132 : vector<16xi32>
      %gather3A_134 = tpu.vector_load_idx %arg6[%add3A_133] : memref<8192xf32, #tpu.memory_space<vmem>>[vector<16xi32>], vector<16xf32>,
      %mul3A_135 = arith.constant 16 : i32
      %mul3A_136 = arith.muli %scan3A_107, %mul3A_135 : i32
      %add3A_137 = arith.constant 2048 : i32
      %add3A_138 = arith.addi %add3A_137, %mul3A_136 : i32
      %swap3A_139 = arith.index_cast %add3A_138 : i32 to index
      %swap3A_140 = tpu.vector_load %arg8[%swap3A_139] {strides = array<i32>} : memref<8192xf32, #tpu.memory_space<vmem>>, vector<16xf32>,
      tpu.vector_store %arg8[%swap3A_139], %gather3A_134 {strides = array<i32>} : memref<8192xf32, #tpu.memory_space<vmem>>, vector<16xf32>,
      %add3A_141 = arith.constant 3072 : i32
      %add3A_142 = vector.broadcast %add3A_141 : i32 to vector<16xi32>
      %add3A_143 = arith.addi %get3A_112, %add3A_142 : vector<16xi32>
      %gather3A_144 = tpu.vector_load_idx %arg6[%add3A_143] : memref<8192xf32, #tpu.memory_space<vmem>>[vector<16xi32>], vector<16xf32>,
      %mul3A_145 = arith.constant 16 : i32
      %mul3A_146 = arith.muli %scan3A_107, %mul3A_145 : i32
      %add3A_147 = arith.constant 3072 : i32
      %add3A_148 = arith.addi %add3A_147, %mul3A_146 : i32
      %swap3A_149 = arith.index_cast %add3A_148 : i32 to index
      %swap3A_150 = tpu.vector_load %arg8[%swap3A_149] {strides = array<i32>} : memref<8192xf32, #tpu.memory_space<vmem>>, vector<16xf32>,
      tpu.vector_store %arg8[%swap3A_149], %gather3A_144 {strides = array<i32>} : memref<8192xf32, #tpu.memory_space<vmem>>, vector<16xf32>,
      %add3A_151 = arith.constant 4096 : i32
      %add3A_152 = vector.broadcast %add3A_151 : i32 to vector<16xi32>
      %add3A_153 = arith.addi %get3A_112, %add3A_152 : vector<16xi32>
      %gather3A_154 = tpu.vector_load_idx %arg6[%add3A_153] : memref<8192xf32, #tpu.memory_space<vmem>>[vector<16xi32>], vector<16xf32>,
      %mul3A_155 = arith.constant 16 : i32
      %mul3A_156 = arith.muli %scan3A_107, %mul3A_155 : i32
      %add3A_157 = arith.constant 4096 : i32
      %add3A_158 = arith.addi %add3A_157, %mul3A_156 : i32
      %swap3A_159 = arith.index_cast %add3A_158 : i32 to index
      %swap3A_160 = tpu.vector_load %arg8[%swap3A_159] {strides = array<i32>} : memref<8192xf32, #tpu.memory_space<vmem>>, vector<16xf32>,
      tpu.vector_store %arg8[%swap3A_159], %gather3A_154 {strides = array<i32>} : memref<8192xf32, #tpu.memory_space<vmem>>, vector<16xf32>,
      %add3A_161 = arith.constant 5120 : i32
      %add3A_162 = vector.broadcast %add3A_161 : i32 to vector<16xi32>
      %add3A_163 = arith.addi %get3A_112, %add3A_162 : vector<16xi32>
      %gather3A_164 = tpu.vector_load_idx %arg6[%add3A_163] : memref<8192xf32, #tpu.memory_space<vmem>>[vector<16xi32>], vector<16xf32>,
      %mul3A_165 = arith.constant 16 : i32
      %mul3A_166 = arith.muli %scan3A_107, %mul3A_165 : i32
      %add3A_167 = arith.constant 5120 : i32
      %add3A_168 = arith.addi %add3A_167, %mul3A_166 : i32
      %swap3A_169 = arith.index_cast %add3A_168 : i32 to index
      %swap3A_170 = tpu.vector_load %arg8[%swap3A_169] {strides = array<i32>} : memref<8192xf32, #tpu.memory_space<vmem>>, vector<16xf32>,
      tpu.vector_store %arg8[%swap3A_169], %gather3A_164 {strides = array<i32>} : memref<8192xf32, #tpu.memory_space<vmem>>, vector<16xf32>,
      %add3A_171 = arith.constant 6144 : i32
      %add3A_172 = vector.broadcast %add3A_171 : i32 to vector<16xi32>
      %add3A_173 = arith.addi %get3A_112, %add3A_172 : vector<16xi32>
      %gather3A_174 = tpu.vector_load_idx %arg6[%add3A_173] : memref<8192xf32, #tpu.memory_space<vmem>>[vector<16xi32>], vector<16xf32>,
      %mul3A_175 = arith.constant 16 : i32
      %mul3A_176 = arith.muli %scan3A_107, %mul3A_175 : i32
      %add3A_177 = arith.constant 6144 : i32
      %add3A_178 = arith.addi %add3A_177, %mul3A_176 : i32
      %swap3A_179 = arith.index_cast %add3A_178 : i32 to index
      %swap3A_180 = tpu.vector_load %arg8[%swap3A_179] {strides = array<i32>} : memref<8192xf32, #tpu.memory_space<vmem>>, vector<16xf32>,
      tpu.vector_store %arg8[%swap3A_179], %gather3A_174 {strides = array<i32>} : memref<8192xf32, #tpu.memory_space<vmem>>, vector<16xf32>,
      %add3A_181 = arith.constant 7168 : i32
      %add3A_182 = vector.broadcast %add3A_181 : i32 to vector<16xi32>
      %add3A_183 = arith.addi %get3A_112, %add3A_182 : vector<16xi32>
      %gather3A_184 = tpu.vector_load_idx %arg6[%add3A_183] : memref<8192xf32, #tpu.memory_space<vmem>>[vector<16xi32>], vector<16xf32>,
      %mul3A_185 = arith.constant 16 : i32
      %mul3A_186 = arith.muli %scan3A_107, %mul3A_185 : i32
      %add3A_187 = arith.constant 7168 : i32
      %add3A_188 = arith.addi %add3A_187, %mul3A_186 : i32
      %swap3A_189 = arith.index_cast %add3A_188 : i32 to index
      %swap3A_190 = tpu.vector_load %arg8[%swap3A_189] {strides = array<i32>} : memref<8192xf32, #tpu.memory_space<vmem>>, vector<16xf32>,
      tpu.vector_store %arg8[%swap3A_189], %gather3A_184 {strides = array<i32>} : memref<8192xf32, #tpu.memory_space<vmem>>, vector<16xf32>,
    }
    %scan3A_32 = arith.constant 64 : i32
    %mul3A_33 = arith.constant 1024 : i32
    %mul3A_34 = arith.muli %mul3A_2, %mul3A_33 : i32
    %add3A_35 = arith.constant 0 : i32
    %add3A_36 = arith.addi %add3A_35, %mul3A_34 : i32
    "tpu.region"() ({
      %run_scoped3A = tpu.sem_alloc : memref<!tpu.dma_semaphore, #tpu.memory_space<semaphore_mem>>
      %dma_start3A = tpu.memref_slice %arg4[%add3A_36] : memref<2097152xf32, #tpu.memory_space<hbm>> -> memref<8192xf32, #tpu.memory_space<hbm>>
      %dma_start3A_107 = tpu.memref_slice %arg4[%add3A_36] : memref<2097152xf32, #tpu.memory_space<hbm>> -> memref<8192xf32, #tpu.memory_space<hbm>>
      tpu.enqueue_dma source(%arg8 : memref<8192xf32, #tpu.memory_space<vmem>>) target(%dma_start3A_107 : memref<8192xf32, #tpu.memory_space<hbm>>) target_semaphore(%run_scoped3A : memref<!tpu.dma_semaphore, #tpu.memory_space<semaphore_mem>>)
      %dma_wait3A = tpu.memref_slice %arg4[%add3A_36] : memref<2097152xf32, #tpu.memory_space<hbm>> -> memref<8192xf32, #tpu.memory_space<hbm>>
      %dma_wait3A_108 = tpu.memref_slice %arg4[%add3A_36] : memref<2097152xf32, #tpu.memory_space<hbm>> -> memref<8192xf32, #tpu.memory_space<hbm>>
      tpu.wait_dma2 semaphore(%run_scoped3A : memref<!tpu.dma_semaphore, #tpu.memory_space<semaphore_mem>>) src(%arg8 : memref<8192xf32, #tpu.memory_space<vmem>>) dst(%dma_wait3A_108 : memref<8192xf32, #tpu.memory_space<hbm>>)
      tpu.yield
    }) : () -> ()
    %scan3A_37 = arith.constant 0 : i32
    %scan3A_38 = arith.constant 0 : i32
    %scan3A_39 = arith.constant 64 : i32
    %scan3A_40 = arith.addi %scan3A_38, %scan3A_39 : i32
    %scan3A_41 = arith.constant 1 : i32
    scf.for %scan3A_107 = %scan3A_38 to %scan3A_40 step %scan3A_41  : i32 {
      %mul3A_108 = arith.constant 16 : i32
      %mul3A_109 = arith.muli %scan3A_107, %mul3A_108 : i32
      %add3A_110 = arith.constant 1024 : i32
      %add3A_111 = arith.addi %add3A_110, %mul3A_109 : i32
      %get3A = arith.index_cast %add3A_111 : i32 to index
      %get3A_112 = tpu.vector_load %arg7[%get3A] {strides = array<i32>} : memref<8192xi32, #tpu.memory_space<vmem>>, vector<16xi32>,
      %add3A_113 = arith.constant 0 : i32
      %add3A_114 = vector.broadcast %add3A_113 : i32 to vector<16xi32>
      %add3A_115 = arith.addi %get3A_112, %add3A_114 : vector<16xi32>
      %gather3A = tpu.vector_load_idx %arg6[%add3A_115] : memref<8192xf32, #tpu.memory_space<vmem>>[vector<16xi32>], vector<16xf32>,
      %mul3A_116 = arith.constant 16 : i32
      %mul3A_117 = arith.muli %scan3A_107, %mul3A_116 : i32
      %add3A_118 = arith.constant 0 : i32
      %add3A_119 = arith.addi %add3A_118, %mul3A_117 : i32
      %swap3A = arith.index_cast %add3A_119 : i32 to index
      %swap3A_120 = tpu.vector_load %arg8[%swap3A] {strides = array<i32>} : memref<8192xf32, #tpu.memory_space<vmem>>, vector<16xf32>,
      tpu.vector_store %arg8[%swap3A], %gather3A {strides = array<i32>} : memref<8192xf32, #tpu.memory_space<vmem>>, vector<16xf32>,
      %add3A_121 = arith.constant 1024 : i32
      %add3A_122 = vector.broadcast %add3A_121 : i32 to vector<16xi32>
      %add3A_123 = arith.addi %get3A_112, %add3A_122 : vector<16xi32>
      %gather3A_124 = tpu.vector_load_idx %arg6[%add3A_123] : memref<8192xf32, #tpu.memory_space<vmem>>[vector<16xi32>], vector<16xf32>,
      %mul3A_125 = arith.constant 16 : i32
      %mul3A_126 = arith.muli %scan3A_107, %mul3A_125 : i32
      %add3A_127 = arith.constant 1024 : i32
      %add3A_128 = arith.addi %add3A_127, %mul3A_126 : i32
      %swap3A_129 = arith.index_cast %add3A_128 : i32 to index
      %swap3A_130 = tpu.vector_load %arg8[%swap3A_129] {strides = array<i32>} : memref<8192xf32, #tpu.memory_space<vmem>>, vector<16xf32>,
      tpu.vector_store %arg8[%swap3A_129], %gather3A_124 {strides = array<i32>} : memref<8192xf32, #tpu.memory_space<vmem>>, vector<16xf32>,
      %add3A_131 = arith.constant 2048 : i32
      %add3A_132 = vector.broadcast %add3A_131 : i32 to vector<16xi32>
      %add3A_133 = arith.addi %get3A_112, %add3A_132 : vector<16xi32>
      %gather3A_134 = tpu.vector_load_idx %arg6[%add3A_133] : memref<8192xf32, #tpu.memory_space<vmem>>[vector<16xi32>], vector<16xf32>,
      %mul3A_135 = arith.constant 16 : i32
      %mul3A_136 = arith.muli %scan3A_107, %mul3A_135 : i32
      %add3A_137 = arith.constant 2048 : i32
      %add3A_138 = arith.addi %add3A_137, %mul3A_136 : i32
      %swap3A_139 = arith.index_cast %add3A_138 : i32 to index
      %swap3A_140 = tpu.vector_load %arg8[%swap3A_139] {strides = array<i32>} : memref<8192xf32, #tpu.memory_space<vmem>>, vector<16xf32>,
      tpu.vector_store %arg8[%swap3A_139], %gather3A_134 {strides = array<i32>} : memref<8192xf32, #tpu.memory_space<vmem>>, vector<16xf32>,
      %add3A_141 = arith.constant 3072 : i32
      %add3A_142 = vector.broadcast %add3A_141 : i32 to vector<16xi32>
      %add3A_143 = arith.addi %get3A_112, %add3A_142 : vector<16xi32>
      %gather3A_144 = tpu.vector_load_idx %arg6[%add3A_143] : memref<8192xf32, #tpu.memory_space<vmem>>[vector<16xi32>], vector<16xf32>,
      %mul3A_145 = arith.constant 16 : i32
      %mul3A_146 = arith.muli %scan3A_107, %mul3A_145 : i32
      %add3A_147 = arith.constant 3072 : i32
      %add3A_148 = arith.addi %add3A_147, %mul3A_146 : i32
      %swap3A_149 = arith.index_cast %add3A_148 : i32 to index
      %swap3A_150 = tpu.vector_load %arg8[%swap3A_149] {strides = array<i32>} : memref<8192xf32, #tpu.memory_space<vmem>>, vector<16xf32>,
      tpu.vector_store %arg8[%swap3A_149], %gather3A_144 {strides = array<i32>} : memref<8192xf32, #tpu.memory_space<vmem>>, vector<16xf32>,
      %add3A_151 = arith.constant 4096 : i32
      %add3A_152 = vector.broadcast %add3A_151 : i32 to vector<16xi32>
      %add3A_153 = arith.addi %get3A_112, %add3A_152 : vector<16xi32>
      %gather3A_154 = tpu.vector_load_idx %arg6[%add3A_153] : memref<8192xf32, #tpu.memory_space<vmem>>[vector<16xi32>], vector<16xf32>,
      %mul3A_155 = arith.constant 16 : i32
      %mul3A_156 = arith.muli %scan3A_107, %mul3A_155 : i32
      %add3A_157 = arith.constant 4096 : i32
      %add3A_158 = arith.addi %add3A_157, %mul3A_156 : i32
      %swap3A_159 = arith.index_cast %add3A_158 : i32 to index
      %swap3A_160 = tpu.vector_load %arg8[%swap3A_159] {strides = array<i32>} : memref<8192xf32, #tpu.memory_space<vmem>>, vector<16xf32>,
      tpu.vector_store %arg8[%swap3A_159], %gather3A_154 {strides = array<i32>} : memref<8192xf32, #tpu.memory_space<vmem>>, vector<16xf32>,
      %add3A_161 = arith.constant 5120 : i32
      %add3A_162 = vector.broadcast %add3A_161 : i32 to vector<16xi32>
      %add3A_163 = arith.addi %get3A_112, %add3A_162 : vector<16xi32>
      %gather3A_164 = tpu.vector_load_idx %arg6[%add3A_163] : memref<8192xf32, #tpu.memory_space<vmem>>[vector<16xi32>], vector<16xf32>,
      %mul3A_165 = arith.constant 16 : i32
      %mul3A_166 = arith.muli %scan3A_107, %mul3A_165 : i32
      %add3A_167 = arith.constant 5120 : i32
      %add3A_168 = arith.addi %add3A_167, %mul3A_166 : i32
      %swap3A_169 = arith.index_cast %add3A_168 : i32 to index
      %swap3A_170 = tpu.vector_load %arg8[%swap3A_169] {strides = array<i32>} : memref<8192xf32, #tpu.memory_space<vmem>>, vector<16xf32>,
      tpu.vector_store %arg8[%swap3A_169], %gather3A_164 {strides = array<i32>} : memref<8192xf32, #tpu.memory_space<vmem>>, vector<16xf32>,
      %add3A_171 = arith.constant 6144 : i32
      %add3A_172 = vector.broadcast %add3A_171 : i32 to vector<16xi32>
      %add3A_173 = arith.addi %get3A_112, %add3A_172 : vector<16xi32>
      %gather3A_174 = tpu.vector_load_idx %arg6[%add3A_173] : memref<8192xf32, #tpu.memory_space<vmem>>[vector<16xi32>], vector<16xf32>,
      %mul3A_175 = arith.constant 16 : i32
      %mul3A_176 = arith.muli %scan3A_107, %mul3A_175 : i32
      %add3A_177 = arith.constant 6144 : i32
      %add3A_178 = arith.addi %add3A_177, %mul3A_176 : i32
      %swap3A_179 = arith.index_cast %add3A_178 : i32 to index
      %swap3A_180 = tpu.vector_load %arg8[%swap3A_179] {strides = array<i32>} : memref<8192xf32, #tpu.memory_space<vmem>>, vector<16xf32>,
      tpu.vector_store %arg8[%swap3A_179], %gather3A_174 {strides = array<i32>} : memref<8192xf32, #tpu.memory_space<vmem>>, vector<16xf32>,
      %add3A_181 = arith.constant 7168 : i32
      %add3A_182 = vector.broadcast %add3A_181 : i32 to vector<16xi32>
      %add3A_183 = arith.addi %get3A_112, %add3A_182 : vector<16xi32>
      %gather3A_184 = tpu.vector_load_idx %arg6[%add3A_183] : memref<8192xf32, #tpu.memory_space<vmem>>[vector<16xi32>], vector<16xf32>,
      %mul3A_185 = arith.constant 16 : i32
      %mul3A_186 = arith.muli %scan3A_107, %mul3A_185 : i32
      %add3A_187 = arith.constant 7168 : i32
      %add3A_188 = arith.addi %add3A_187, %mul3A_186 : i32
      %swap3A_189 = arith.index_cast %add3A_188 : i32 to index
      %swap3A_190 = tpu.vector_load %arg8[%swap3A_189] {strides = array<i32>} : memref<8192xf32, #tpu.memory_space<vmem>>, vector<16xf32>,
      tpu.vector_store %arg8[%swap3A_189], %gather3A_184 {strides = array<i32>} : memref<8192xf32, #tpu.memory_space<vmem>>, vector<16xf32>,
    }
    %scan3A_42 = arith.constant 64 : i32
    %mul3A_43 = arith.constant 1024 : i32
    %mul3A_44 = arith.muli %mul3A_2, %mul3A_43 : i32
    %add3A_45 = arith.constant 262144 : i32
    %add3A_46 = arith.addi %add3A_45, %mul3A_44 : i32
    "tpu.region"() ({
      %run_scoped3A = tpu.sem_alloc : memref<!tpu.dma_semaphore, #tpu.memory_space<semaphore_mem>>
      %dma_start3A = tpu.memref_slice %arg4[%add3A_46] : memref<2097152xf32, #tpu.memory_space<hbm>> -> memref<8192xf32, #tpu.memory_space<hbm>>
      %dma_start3A_107 = tpu.memref_slice %arg4[%add3A_46] : memref<2097152xf32, #tpu.memory_space<hbm>> -> memref<8192xf32, #tpu.memory_space<hbm>>
      tpu.enqueue_dma source(%arg8 : memref<8192xf32, #tpu.memory_space<vmem>>) target(%dma_start3A_107 : memref<8192xf32, #tpu.memory_space<hbm>>) target_semaphore(%run_scoped3A : memref<!tpu.dma_semaphore, #tpu.memory_space<semaphore_mem>>)
      %dma_wait3A = tpu.memref_slice %arg4[%add3A_46] : memref<2097152xf32, #tpu.memory_space<hbm>> -> memref<8192xf32, #tpu.memory_space<hbm>>
      %dma_wait3A_108 = tpu.memref_slice %arg4[%add3A_46] : memref<2097152xf32, #tpu.memory_space<hbm>> -> memref<8192xf32, #tpu.memory_space<hbm>>
      tpu.wait_dma2 semaphore(%run_scoped3A : memref<!tpu.dma_semaphore, #tpu.memory_space<semaphore_mem>>) src(%arg8 : memref<8192xf32, #tpu.memory_space<vmem>>) dst(%dma_wait3A_108 : memref<8192xf32, #tpu.memory_space<hbm>>)
      tpu.yield
    }) : () -> ()
    %scan3A_47 = arith.constant 0 : i32
    %scan3A_48 = arith.constant 0 : i32
    %scan3A_49 = arith.constant 64 : i32
    %scan3A_50 = arith.addi %scan3A_48, %scan3A_49 : i32
    %scan3A_51 = arith.constant 1 : i32
    scf.for %scan3A_107 = %scan3A_48 to %scan3A_50 step %scan3A_51  : i32 {
      %mul3A_108 = arith.constant 16 : i32
      %mul3A_109 = arith.muli %scan3A_107, %mul3A_108 : i32
      %add3A_110 = arith.constant 2048 : i32
      %add3A_111 = arith.addi %add3A_110, %mul3A_109 : i32
      %get3A = arith.index_cast %add3A_111 : i32 to index
      %get3A_112 = tpu.vector_load %arg7[%get3A] {strides = array<i32>} : memref<8192xi32, #tpu.memory_space<vmem>>, vector<16xi32>,
      %add3A_113 = arith.constant 0 : i32
      %add3A_114 = vector.broadcast %add3A_113 : i32 to vector<16xi32>
      %add3A_115 = arith.addi %get3A_112, %add3A_114 : vector<16xi32>
      %gather3A = tpu.vector_load_idx %arg6[%add3A_115] : memref<8192xf32, #tpu.memory_space<vmem>>[vector<16xi32>], vector<16xf32>,
      %mul3A_116 = arith.constant 16 : i32
      %mul3A_117 = arith.muli %scan3A_107, %mul3A_116 : i32
      %add3A_118 = arith.constant 0 : i32
      %add3A_119 = arith.addi %add3A_118, %mul3A_117 : i32
      %swap3A = arith.index_cast %add3A_119 : i32 to index
      %swap3A_120 = tpu.vector_load %arg8[%swap3A] {strides = array<i32>} : memref<8192xf32, #tpu.memory_space<vmem>>, vector<16xf32>,
      tpu.vector_store %arg8[%swap3A], %gather3A {strides = array<i32>} : memref<8192xf32, #tpu.memory_space<vmem>>, vector<16xf32>,
      %add3A_121 = arith.constant 1024 : i32
      %add3A_122 = vector.broadcast %add3A_121 : i32 to vector<16xi32>
      %add3A_123 = arith.addi %get3A_112, %add3A_122 : vector<16xi32>
      %gather3A_124 = tpu.vector_load_idx %arg6[%add3A_123] : memref<8192xf32, #tpu.memory_space<vmem>>[vector<16xi32>], vector<16xf32>,
      %mul3A_125 = arith.constant 16 : i32
      %mul3A_126 = arith.muli %scan3A_107, %mul3A_125 : i32
      %add3A_127 = arith.constant 1024 : i32
      %add3A_128 = arith.addi %add3A_127, %mul3A_126 : i32
      %swap3A_129 = arith.index_cast %add3A_128 : i32 to index
      %swap3A_130 = tpu.vector_load %arg8[%swap3A_129] {strides = array<i32>} : memref<8192xf32, #tpu.memory_space<vmem>>, vector<16xf32>,
      tpu.vector_store %arg8[%swap3A_129], %gather3A_124 {strides = array<i32>} : memref<8192xf32, #tpu.memory_space<vmem>>, vector<16xf32>,
      %add3A_131 = arith.constant 2048 : i32
      %add3A_132 = vector.broadcast %add3A_131 : i32 to vector<16xi32>
      %add3A_133 = arith.addi %get3A_112, %add3A_132 : vector<16xi32>
      %gather3A_134 = tpu.vector_load_idx %arg6[%add3A_133] : memref<8192xf32, #tpu.memory_space<vmem>>[vector<16xi32>], vector<16xf32>,
      %mul3A_135 = arith.constant 16 : i32
      %mul3A_136 = arith.muli %scan3A_107, %mul3A_135 : i32
      %add3A_137 = arith.constant 2048 : i32
      %add3A_138 = arith.addi %add3A_137, %mul3A_136 : i32
      %swap3A_139 = arith.index_cast %add3A_138 : i32 to index
      %swap3A_140 = tpu.vector_load %arg8[%swap3A_139] {strides = array<i32>} : memref<8192xf32, #tpu.memory_space<vmem>>, vector<16xf32>,
      tpu.vector_store %arg8[%swap3A_139], %gather3A_134 {strides = array<i32>} : memref<8192xf32, #tpu.memory_space<vmem>>, vector<16xf32>,
      %add3A_141 = arith.constant 3072 : i32
      %add3A_142 = vector.broadcast %add3A_141 : i32 to vector<16xi32>
      %add3A_143 = arith.addi %get3A_112, %add3A_142 : vector<16xi32>
      %gather3A_144 = tpu.vector_load_idx %arg6[%add3A_143] : memref<8192xf32, #tpu.memory_space<vmem>>[vector<16xi32>], vector<16xf32>,
      %mul3A_145 = arith.constant 16 : i32
      %mul3A_146 = arith.muli %scan3A_107, %mul3A_145 : i32
      %add3A_147 = arith.constant 3072 : i32
      %add3A_148 = arith.addi %add3A_147, %mul3A_146 : i32
      %swap3A_149 = arith.index_cast %add3A_148 : i32 to index
      %swap3A_150 = tpu.vector_load %arg8[%swap3A_149] {strides = array<i32>} : memref<8192xf32, #tpu.memory_space<vmem>>, vector<16xf32>,
      tpu.vector_store %arg8[%swap3A_149], %gather3A_144 {strides = array<i32>} : memref<8192xf32, #tpu.memory_space<vmem>>, vector<16xf32>,
      %add3A_151 = arith.constant 4096 : i32
      %add3A_152 = vector.broadcast %add3A_151 : i32 to vector<16xi32>
      %add3A_153 = arith.addi %get3A_112, %add3A_152 : vector<16xi32>
      %gather3A_154 = tpu.vector_load_idx %arg6[%add3A_153] : memref<8192xf32, #tpu.memory_space<vmem>>[vector<16xi32>], vector<16xf32>,
      %mul3A_155 = arith.constant 16 : i32
      %mul3A_156 = arith.muli %scan3A_107, %mul3A_155 : i32
      %add3A_157 = arith.constant 4096 : i32
      %add3A_158 = arith.addi %add3A_157, %mul3A_156 : i32
      %swap3A_159 = arith.index_cast %add3A_158 : i32 to index
      %swap3A_160 = tpu.vector_load %arg8[%swap3A_159] {strides = array<i32>} : memref<8192xf32, #tpu.memory_space<vmem>>, vector<16xf32>,
      tpu.vector_store %arg8[%swap3A_159], %gather3A_154 {strides = array<i32>} : memref<8192xf32, #tpu.memory_space<vmem>>, vector<16xf32>,
      %add3A_161 = arith.constant 5120 : i32
      %add3A_162 = vector.broadcast %add3A_161 : i32 to vector<16xi32>
      %add3A_163 = arith.addi %get3A_112, %add3A_162 : vector<16xi32>
      %gather3A_164 = tpu.vector_load_idx %arg6[%add3A_163] : memref<8192xf32, #tpu.memory_space<vmem>>[vector<16xi32>], vector<16xf32>,
      %mul3A_165 = arith.constant 16 : i32
      %mul3A_166 = arith.muli %scan3A_107, %mul3A_165 : i32
      %add3A_167 = arith.constant 5120 : i32
      %add3A_168 = arith.addi %add3A_167, %mul3A_166 : i32
      %swap3A_169 = arith.index_cast %add3A_168 : i32 to index
      %swap3A_170 = tpu.vector_load %arg8[%swap3A_169] {strides = array<i32>} : memref<8192xf32, #tpu.memory_space<vmem>>, vector<16xf32>,
      tpu.vector_store %arg8[%swap3A_169], %gather3A_164 {strides = array<i32>} : memref<8192xf32, #tpu.memory_space<vmem>>, vector<16xf32>,
      %add3A_171 = arith.constant 6144 : i32
      %add3A_172 = vector.broadcast %add3A_171 : i32 to vector<16xi32>
      %add3A_173 = arith.addi %get3A_112, %add3A_172 : vector<16xi32>
      %gather3A_174 = tpu.vector_load_idx %arg6[%add3A_173] : memref<8192xf32, #tpu.memory_space<vmem>>[vector<16xi32>], vector<16xf32>,
      %mul3A_175 = arith.constant 16 : i32
      %mul3A_176 = arith.muli %scan3A_107, %mul3A_175 : i32
      %add3A_177 = arith.constant 6144 : i32
      %add3A_178 = arith.addi %add3A_177, %mul3A_176 : i32
      %swap3A_179 = arith.index_cast %add3A_178 : i32 to index
      %swap3A_180 = tpu.vector_load %arg8[%swap3A_179] {strides = array<i32>} : memref<8192xf32, #tpu.memory_space<vmem>>, vector<16xf32>,
      tpu.vector_store %arg8[%swap3A_179], %gather3A_174 {strides = array<i32>} : memref<8192xf32, #tpu.memory_space<vmem>>, vector<16xf32>,
      %add3A_181 = arith.constant 7168 : i32
      %add3A_182 = vector.broadcast %add3A_181 : i32 to vector<16xi32>
      %add3A_183 = arith.addi %get3A_112, %add3A_182 : vector<16xi32>
      %gather3A_184 = tpu.vector_load_idx %arg6[%add3A_183] : memref<8192xf32, #tpu.memory_space<vmem>>[vector<16xi32>], vector<16xf32>,
      %mul3A_185 = arith.constant 16 : i32
      %mul3A_186 = arith.muli %scan3A_107, %mul3A_185 : i32
      %add3A_187 = arith.constant 7168 : i32
      %add3A_188 = arith.addi %add3A_187, %mul3A_186 : i32
      %swap3A_189 = arith.index_cast %add3A_188 : i32 to index
      %swap3A_190 = tpu.vector_load %arg8[%swap3A_189] {strides = array<i32>} : memref<8192xf32, #tpu.memory_space<vmem>>, vector<16xf32>,
      tpu.vector_store %arg8[%swap3A_189], %gather3A_184 {strides = array<i32>} : memref<8192xf32, #tpu.memory_space<vmem>>, vector<16xf32>,
    }
    %scan3A_52 = arith.constant 64 : i32
    %mul3A_53 = arith.constant 1024 : i32
    %mul3A_54 = arith.muli %mul3A_2, %mul3A_53 : i32
    %add3A_55 = arith.constant 524288 : i32
    %add3A_56 = arith.addi %add3A_55, %mul3A_54 : i32
    "tpu.region"() ({
      %run_scoped3A = tpu.sem_alloc : memref<!tpu.dma_semaphore, #tpu.memory_space<semaphore_mem>>
      %dma_start3A = tpu.memref_slice %arg4[%add3A_56] : memref<2097152xf32, #tpu.memory_space<hbm>> -> memref<8192xf32, #tpu.memory_space<hbm>>
      %dma_start3A_107 = tpu.memref_slice %arg4[%add3A_56] : memref<2097152xf32, #tpu.memory_space<hbm>> -> memref<8192xf32, #tpu.memory_space<hbm>>
      tpu.enqueue_dma source(%arg8 : memref<8192xf32, #tpu.memory_space<vmem>>) target(%dma_start3A_107 : memref<8192xf32, #tpu.memory_space<hbm>>) target_semaphore(%run_scoped3A : memref<!tpu.dma_semaphore, #tpu.memory_space<semaphore_mem>>)
      %dma_wait3A = tpu.memref_slice %arg4[%add3A_56] : memref<2097152xf32, #tpu.memory_space<hbm>> -> memref<8192xf32, #tpu.memory_space<hbm>>
      %dma_wait3A_108 = tpu.memref_slice %arg4[%add3A_56] : memref<2097152xf32, #tpu.memory_space<hbm>> -> memref<8192xf32, #tpu.memory_space<hbm>>
      tpu.wait_dma2 semaphore(%run_scoped3A : memref<!tpu.dma_semaphore, #tpu.memory_space<semaphore_mem>>) src(%arg8 : memref<8192xf32, #tpu.memory_space<vmem>>) dst(%dma_wait3A_108 : memref<8192xf32, #tpu.memory_space<hbm>>)
      tpu.yield
    }) : () -> ()
    %scan3A_57 = arith.constant 0 : i32
    %scan3A_58 = arith.constant 0 : i32
    %scan3A_59 = arith.constant 64 : i32
    %scan3A_60 = arith.addi %scan3A_58, %scan3A_59 : i32
    %scan3A_61 = arith.constant 1 : i32
    scf.for %scan3A_107 = %scan3A_58 to %scan3A_60 step %scan3A_61  : i32 {
      %mul3A_108 = arith.constant 16 : i32
      %mul3A_109 = arith.muli %scan3A_107, %mul3A_108 : i32
      %add3A_110 = arith.constant 3072 : i32
      %add3A_111 = arith.addi %add3A_110, %mul3A_109 : i32
      %get3A = arith.index_cast %add3A_111 : i32 to index
      %get3A_112 = tpu.vector_load %arg7[%get3A] {strides = array<i32>} : memref<8192xi32, #tpu.memory_space<vmem>>, vector<16xi32>,
      %add3A_113 = arith.constant 0 : i32
      %add3A_114 = vector.broadcast %add3A_113 : i32 to vector<16xi32>
      %add3A_115 = arith.addi %get3A_112, %add3A_114 : vector<16xi32>
      %gather3A = tpu.vector_load_idx %arg6[%add3A_115] : memref<8192xf32, #tpu.memory_space<vmem>>[vector<16xi32>], vector<16xf32>,
      %mul3A_116 = arith.constant 16 : i32
      %mul3A_117 = arith.muli %scan3A_107, %mul3A_116 : i32
      %add3A_118 = arith.constant 0 : i32
      %add3A_119 = arith.addi %add3A_118, %mul3A_117 : i32
      %swap3A = arith.index_cast %add3A_119 : i32 to index
      %swap3A_120 = tpu.vector_load %arg8[%swap3A] {strides = array<i32>} : memref<8192xf32, #tpu.memory_space<vmem>>, vector<16xf32>,
      tpu.vector_store %arg8[%swap3A], %gather3A {strides = array<i32>} : memref<8192xf32, #tpu.memory_space<vmem>>, vector<16xf32>,
      %add3A_121 = arith.constant 1024 : i32
      %add3A_122 = vector.broadcast %add3A_121 : i32 to vector<16xi32>
      %add3A_123 = arith.addi %get3A_112, %add3A_122 : vector<16xi32>
      %gather3A_124 = tpu.vector_load_idx %arg6[%add3A_123] : memref<8192xf32, #tpu.memory_space<vmem>>[vector<16xi32>], vector<16xf32>,
      %mul3A_125 = arith.constant 16 : i32
      %mul3A_126 = arith.muli %scan3A_107, %mul3A_125 : i32
      %add3A_127 = arith.constant 1024 : i32
      %add3A_128 = arith.addi %add3A_127, %mul3A_126 : i32
      %swap3A_129 = arith.index_cast %add3A_128 : i32 to index
      %swap3A_130 = tpu.vector_load %arg8[%swap3A_129] {strides = array<i32>} : memref<8192xf32, #tpu.memory_space<vmem>>, vector<16xf32>,
      tpu.vector_store %arg8[%swap3A_129], %gather3A_124 {strides = array<i32>} : memref<8192xf32, #tpu.memory_space<vmem>>, vector<16xf32>,
      %add3A_131 = arith.constant 2048 : i32
      %add3A_132 = vector.broadcast %add3A_131 : i32 to vector<16xi32>
      %add3A_133 = arith.addi %get3A_112, %add3A_132 : vector<16xi32>
      %gather3A_134 = tpu.vector_load_idx %arg6[%add3A_133] : memref<8192xf32, #tpu.memory_space<vmem>>[vector<16xi32>], vector<16xf32>,
      %mul3A_135 = arith.constant 16 : i32
      %mul3A_136 = arith.muli %scan3A_107, %mul3A_135 : i32
      %add3A_137 = arith.constant 2048 : i32
      %add3A_138 = arith.addi %add3A_137, %mul3A_136 : i32
      %swap3A_139 = arith.index_cast %add3A_138 : i32 to index
      %swap3A_140 = tpu.vector_load %arg8[%swap3A_139] {strides = array<i32>} : memref<8192xf32, #tpu.memory_space<vmem>>, vector<16xf32>,
      tpu.vector_store %arg8[%swap3A_139], %gather3A_134 {strides = array<i32>} : memref<8192xf32, #tpu.memory_space<vmem>>, vector<16xf32>,
      %add3A_141 = arith.constant 3072 : i32
      %add3A_142 = vector.broadcast %add3A_141 : i32 to vector<16xi32>
      %add3A_143 = arith.addi %get3A_112, %add3A_142 : vector<16xi32>
      %gather3A_144 = tpu.vector_load_idx %arg6[%add3A_143] : memref<8192xf32, #tpu.memory_space<vmem>>[vector<16xi32>], vector<16xf32>,
      %mul3A_145 = arith.constant 16 : i32
      %mul3A_146 = arith.muli %scan3A_107, %mul3A_145 : i32
      %add3A_147 = arith.constant 3072 : i32
      %add3A_148 = arith.addi %add3A_147, %mul3A_146 : i32
      %swap3A_149 = arith.index_cast %add3A_148 : i32 to index
      %swap3A_150 = tpu.vector_load %arg8[%swap3A_149] {strides = array<i32>} : memref<8192xf32, #tpu.memory_space<vmem>>, vector<16xf32>,
      tpu.vector_store %arg8[%swap3A_149], %gather3A_144 {strides = array<i32>} : memref<8192xf32, #tpu.memory_space<vmem>>, vector<16xf32>,
      %add3A_151 = arith.constant 4096 : i32
      %add3A_152 = vector.broadcast %add3A_151 : i32 to vector<16xi32>
      %add3A_153 = arith.addi %get3A_112, %add3A_152 : vector<16xi32>
      %gather3A_154 = tpu.vector_load_idx %arg6[%add3A_153] : memref<8192xf32, #tpu.memory_space<vmem>>[vector<16xi32>], vector<16xf32>,
      %mul3A_155 = arith.constant 16 : i32
      %mul3A_156 = arith.muli %scan3A_107, %mul3A_155 : i32
      %add3A_157 = arith.constant 4096 : i32
      %add3A_158 = arith.addi %add3A_157, %mul3A_156 : i32
      %swap3A_159 = arith.index_cast %add3A_158 : i32 to index
      %swap3A_160 = tpu.vector_load %arg8[%swap3A_159] {strides = array<i32>} : memref<8192xf32, #tpu.memory_space<vmem>>, vector<16xf32>,
      tpu.vector_store %arg8[%swap3A_159], %gather3A_154 {strides = array<i32>} : memref<8192xf32, #tpu.memory_space<vmem>>, vector<16xf32>,
      %add3A_161 = arith.constant 5120 : i32
      %add3A_162 = vector.broadcast %add3A_161 : i32 to vector<16xi32>
      %add3A_163 = arith.addi %get3A_112, %add3A_162 : vector<16xi32>
      %gather3A_164 = tpu.vector_load_idx %arg6[%add3A_163] : memref<8192xf32, #tpu.memory_space<vmem>>[vector<16xi32>], vector<16xf32>,
      %mul3A_165 = arith.constant 16 : i32
      %mul3A_166 = arith.muli %scan3A_107, %mul3A_165 : i32
      %add3A_167 = arith.constant 5120 : i32
      %add3A_168 = arith.addi %add3A_167, %mul3A_166 : i32
      %swap3A_169 = arith.index_cast %add3A_168 : i32 to index
      %swap3A_170 = tpu.vector_load %arg8[%swap3A_169] {strides = array<i32>} : memref<8192xf32, #tpu.memory_space<vmem>>, vector<16xf32>,
      tpu.vector_store %arg8[%swap3A_169], %gather3A_164 {strides = array<i32>} : memref<8192xf32, #tpu.memory_space<vmem>>, vector<16xf32>,
      %add3A_171 = arith.constant 6144 : i32
      %add3A_172 = vector.broadcast %add3A_171 : i32 to vector<16xi32>
      %add3A_173 = arith.addi %get3A_112, %add3A_172 : vector<16xi32>
      %gather3A_174 = tpu.vector_load_idx %arg6[%add3A_173] : memref<8192xf32, #tpu.memory_space<vmem>>[vector<16xi32>], vector<16xf32>,
      %mul3A_175 = arith.constant 16 : i32
      %mul3A_176 = arith.muli %scan3A_107, %mul3A_175 : i32
      %add3A_177 = arith.constant 6144 : i32
      %add3A_178 = arith.addi %add3A_177, %mul3A_176 : i32
      %swap3A_179 = arith.index_cast %add3A_178 : i32 to index
      %swap3A_180 = tpu.vector_load %arg8[%swap3A_179] {strides = array<i32>} : memref<8192xf32, #tpu.memory_space<vmem>>, vector<16xf32>,
      tpu.vector_store %arg8[%swap3A_179], %gather3A_174 {strides = array<i32>} : memref<8192xf32, #tpu.memory_space<vmem>>, vector<16xf32>,
      %add3A_181 = arith.constant 7168 : i32
      %add3A_182 = vector.broadcast %add3A_181 : i32 to vector<16xi32>
      %add3A_183 = arith.addi %get3A_112, %add3A_182 : vector<16xi32>
      %gather3A_184 = tpu.vector_load_idx %arg6[%add3A_183] : memref<8192xf32, #tpu.memory_space<vmem>>[vector<16xi32>], vector<16xf32>,
      %mul3A_185 = arith.constant 16 : i32
      %mul3A_186 = arith.muli %scan3A_107, %mul3A_185 : i32
      %add3A_187 = arith.constant 7168 : i32
      %add3A_188 = arith.addi %add3A_187, %mul3A_186 : i32
      %swap3A_189 = arith.index_cast %add3A_188 : i32 to index
      %swap3A_190 = tpu.vector_load %arg8[%swap3A_189] {strides = array<i32>} : memref<8192xf32, #tpu.memory_space<vmem>>, vector<16xf32>,
      tpu.vector_store %arg8[%swap3A_189], %gather3A_184 {strides = array<i32>} : memref<8192xf32, #tpu.memory_space<vmem>>, vector<16xf32>,
    }
    %scan3A_62 = arith.constant 64 : i32
    %mul3A_63 = arith.constant 1024 : i32
    %mul3A_64 = arith.muli %mul3A_2, %mul3A_63 : i32
    %add3A_65 = arith.constant 786432 : i32
    %add3A_66 = arith.addi %add3A_65, %mul3A_64 : i32
    "tpu.region"() ({
      %run_scoped3A = tpu.sem_alloc : memref<!tpu.dma_semaphore, #tpu.memory_space<semaphore_mem>>
      %dma_start3A = tpu.memref_slice %arg4[%add3A_66] : memref<2097152xf32, #tpu.memory_space<hbm>> -> memref<8192xf32, #tpu.memory_space<hbm>>
      %dma_start3A_107 = tpu.memref_slice %arg4[%add3A_66] : memref<2097152xf32, #tpu.memory_space<hbm>> -> memref<8192xf32, #tpu.memory_space<hbm>>
      tpu.enqueue_dma source(%arg8 : memref<8192xf32, #tpu.memory_space<vmem>>) target(%dma_start3A_107 : memref<8192xf32, #tpu.memory_space<hbm>>) target_semaphore(%run_scoped3A : memref<!tpu.dma_semaphore, #tpu.memory_space<semaphore_mem>>)
      %dma_wait3A = tpu.memref_slice %arg4[%add3A_66] : memref<2097152xf32, #tpu.memory_space<hbm>> -> memref<8192xf32, #tpu.memory_space<hbm>>
      %dma_wait3A_108 = tpu.memref_slice %arg4[%add3A_66] : memref<2097152xf32, #tpu.memory_space<hbm>> -> memref<8192xf32, #tpu.memory_space<hbm>>
      tpu.wait_dma2 semaphore(%run_scoped3A : memref<!tpu.dma_semaphore, #tpu.memory_space<semaphore_mem>>) src(%arg8 : memref<8192xf32, #tpu.memory_space<vmem>>) dst(%dma_wait3A_108 : memref<8192xf32, #tpu.memory_space<hbm>>)
      tpu.yield
    }) : () -> ()
    %scan3A_67 = arith.constant 0 : i32
    %scan3A_68 = arith.constant 0 : i32
    %scan3A_69 = arith.constant 64 : i32
    %scan3A_70 = arith.addi %scan3A_68, %scan3A_69 : i32
    %scan3A_71 = arith.constant 1 : i32
    scf.for %scan3A_107 = %scan3A_68 to %scan3A_70 step %scan3A_71  : i32 {
      %mul3A_108 = arith.constant 16 : i32
      %mul3A_109 = arith.muli %scan3A_107, %mul3A_108 : i32
      %add3A_110 = arith.constant 4096 : i32
      %add3A_111 = arith.addi %add3A_110, %mul3A_109 : i32
      %get3A = arith.index_cast %add3A_111 : i32 to index
      %get3A_112 = tpu.vector_load %arg7[%get3A] {strides = array<i32>} : memref<8192xi32, #tpu.memory_space<vmem>>, vector<16xi32>,
      %add3A_113 = arith.constant 0 : i32
      %add3A_114 = vector.broadcast %add3A_113 : i32 to vector<16xi32>
      %add3A_115 = arith.addi %get3A_112, %add3A_114 : vector<16xi32>
      %gather3A = tpu.vector_load_idx %arg6[%add3A_115] : memref<8192xf32, #tpu.memory_space<vmem>>[vector<16xi32>], vector<16xf32>,
      %mul3A_116 = arith.constant 16 : i32
      %mul3A_117 = arith.muli %scan3A_107, %mul3A_116 : i32
      %add3A_118 = arith.constant 0 : i32
      %add3A_119 = arith.addi %add3A_118, %mul3A_117 : i32
      %swap3A = arith.index_cast %add3A_119 : i32 to index
      %swap3A_120 = tpu.vector_load %arg8[%swap3A] {strides = array<i32>} : memref<8192xf32, #tpu.memory_space<vmem>>, vector<16xf32>,
      tpu.vector_store %arg8[%swap3A], %gather3A {strides = array<i32>} : memref<8192xf32, #tpu.memory_space<vmem>>, vector<16xf32>,
      %add3A_121 = arith.constant 1024 : i32
      %add3A_122 = vector.broadcast %add3A_121 : i32 to vector<16xi32>
      %add3A_123 = arith.addi %get3A_112, %add3A_122 : vector<16xi32>
      %gather3A_124 = tpu.vector_load_idx %arg6[%add3A_123] : memref<8192xf32, #tpu.memory_space<vmem>>[vector<16xi32>], vector<16xf32>,
      %mul3A_125 = arith.constant 16 : i32
      %mul3A_126 = arith.muli %scan3A_107, %mul3A_125 : i32
      %add3A_127 = arith.constant 1024 : i32
      %add3A_128 = arith.addi %add3A_127, %mul3A_126 : i32
      %swap3A_129 = arith.index_cast %add3A_128 : i32 to index
      %swap3A_130 = tpu.vector_load %arg8[%swap3A_129] {strides = array<i32>} : memref<8192xf32, #tpu.memory_space<vmem>>, vector<16xf32>,
      tpu.vector_store %arg8[%swap3A_129], %gather3A_124 {strides = array<i32>} : memref<8192xf32, #tpu.memory_space<vmem>>, vector<16xf32>,
      %add3A_131 = arith.constant 2048 : i32
      %add3A_132 = vector.broadcast %add3A_131 : i32 to vector<16xi32>
      %add3A_133 = arith.addi %get3A_112, %add3A_132 : vector<16xi32>
      %gather3A_134 = tpu.vector_load_idx %arg6[%add3A_133] : memref<8192xf32, #tpu.memory_space<vmem>>[vector<16xi32>], vector<16xf32>,
      %mul3A_135 = arith.constant 16 : i32
      %mul3A_136 = arith.muli %scan3A_107, %mul3A_135 : i32
      %add3A_137 = arith.constant 2048 : i32
      %add3A_138 = arith.addi %add3A_137, %mul3A_136 : i32
      %swap3A_139 = arith.index_cast %add3A_138 : i32 to index
      %swap3A_140 = tpu.vector_load %arg8[%swap3A_139] {strides = array<i32>} : memref<8192xf32, #tpu.memory_space<vmem>>, vector<16xf32>,
      tpu.vector_store %arg8[%swap3A_139], %gather3A_134 {strides = array<i32>} : memref<8192xf32, #tpu.memory_space<vmem>>, vector<16xf32>,
      %add3A_141 = arith.constant 3072 : i32
      %add3A_142 = vector.broadcast %add3A_141 : i32 to vector<16xi32>
      %add3A_143 = arith.addi %get3A_112, %add3A_142 : vector<16xi32>
      %gather3A_144 = tpu.vector_load_idx %arg6[%add3A_143] : memref<8192xf32, #tpu.memory_space<vmem>>[vector<16xi32>], vector<16xf32>,
      %mul3A_145 = arith.constant 16 : i32
      %mul3A_146 = arith.muli %scan3A_107, %mul3A_145 : i32
      %add3A_147 = arith.constant 3072 : i32
      %add3A_148 = arith.addi %add3A_147, %mul3A_146 : i32
      %swap3A_149 = arith.index_cast %add3A_148 : i32 to index
      %swap3A_150 = tpu.vector_load %arg8[%swap3A_149] {strides = array<i32>} : memref<8192xf32, #tpu.memory_space<vmem>>, vector<16xf32>,
      tpu.vector_store %arg8[%swap3A_149], %gather3A_144 {strides = array<i32>} : memref<8192xf32, #tpu.memory_space<vmem>>, vector<16xf32>,
      %add3A_151 = arith.constant 4096 : i32
      %add3A_152 = vector.broadcast %add3A_151 : i32 to vector<16xi32>
      %add3A_153 = arith.addi %get3A_112, %add3A_152 : vector<16xi32>
      %gather3A_154 = tpu.vector_load_idx %arg6[%add3A_153] : memref<8192xf32, #tpu.memory_space<vmem>>[vector<16xi32>], vector<16xf32>,
      %mul3A_155 = arith.constant 16 : i32
      %mul3A_156 = arith.muli %scan3A_107, %mul3A_155 : i32
      %add3A_157 = arith.constant 4096 : i32
      %add3A_158 = arith.addi %add3A_157, %mul3A_156 : i32
      %swap3A_159 = arith.index_cast %add3A_158 : i32 to index
      %swap3A_160 = tpu.vector_load %arg8[%swap3A_159] {strides = array<i32>} : memref<8192xf32, #tpu.memory_space<vmem>>, vector<16xf32>,
      tpu.vector_store %arg8[%swap3A_159], %gather3A_154 {strides = array<i32>} : memref<8192xf32, #tpu.memory_space<vmem>>, vector<16xf32>,
      %add3A_161 = arith.constant 5120 : i32
      %add3A_162 = vector.broadcast %add3A_161 : i32 to vector<16xi32>
      %add3A_163 = arith.addi %get3A_112, %add3A_162 : vector<16xi32>
      %gather3A_164 = tpu.vector_load_idx %arg6[%add3A_163] : memref<8192xf32, #tpu.memory_space<vmem>>[vector<16xi32>], vector<16xf32>,
      %mul3A_165 = arith.constant 16 : i32
      %mul3A_166 = arith.muli %scan3A_107, %mul3A_165 : i32
      %add3A_167 = arith.constant 5120 : i32
      %add3A_168 = arith.addi %add3A_167, %mul3A_166 : i32
      %swap3A_169 = arith.index_cast %add3A_168 : i32 to index
      %swap3A_170 = tpu.vector_load %arg8[%swap3A_169] {strides = array<i32>} : memref<8192xf32, #tpu.memory_space<vmem>>, vector<16xf32>,
      tpu.vector_store %arg8[%swap3A_169], %gather3A_164 {strides = array<i32>} : memref<8192xf32, #tpu.memory_space<vmem>>, vector<16xf32>,
      %add3A_171 = arith.constant 6144 : i32
      %add3A_172 = vector.broadcast %add3A_171 : i32 to vector<16xi32>
      %add3A_173 = arith.addi %get3A_112, %add3A_172 : vector<16xi32>
      %gather3A_174 = tpu.vector_load_idx %arg6[%add3A_173] : memref<8192xf32, #tpu.memory_space<vmem>>[vector<16xi32>], vector<16xf32>,
      %mul3A_175 = arith.constant 16 : i32
      %mul3A_176 = arith.muli %scan3A_107, %mul3A_175 : i32
      %add3A_177 = arith.constant 6144 : i32
      %add3A_178 = arith.addi %add3A_177, %mul3A_176 : i32
      %swap3A_179 = arith.index_cast %add3A_178 : i32 to index
      %swap3A_180 = tpu.vector_load %arg8[%swap3A_179] {strides = array<i32>} : memref<8192xf32, #tpu.memory_space<vmem>>, vector<16xf32>,
      tpu.vector_store %arg8[%swap3A_179], %gather3A_174 {strides = array<i32>} : memref<8192xf32, #tpu.memory_space<vmem>>, vector<16xf32>,
      %add3A_181 = arith.constant 7168 : i32
      %add3A_182 = vector.broadcast %add3A_181 : i32 to vector<16xi32>
      %add3A_183 = arith.addi %get3A_112, %add3A_182 : vector<16xi32>
      %gather3A_184 = tpu.vector_load_idx %arg6[%add3A_183] : memref<8192xf32, #tpu.memory_space<vmem>>[vector<16xi32>], vector<16xf32>,
      %mul3A_185 = arith.constant 16 : i32
      %mul3A_186 = arith.muli %scan3A_107, %mul3A_185 : i32
      %add3A_187 = arith.constant 7168 : i32
      %add3A_188 = arith.addi %add3A_187, %mul3A_186 : i32
      %swap3A_189 = arith.index_cast %add3A_188 : i32 to index
      %swap3A_190 = tpu.vector_load %arg8[%swap3A_189] {strides = array<i32>} : memref<8192xf32, #tpu.memory_space<vmem>>, vector<16xf32>,
      tpu.vector_store %arg8[%swap3A_189], %gather3A_184 {strides = array<i32>} : memref<8192xf32, #tpu.memory_space<vmem>>, vector<16xf32>,
    }
    %scan3A_72 = arith.constant 64 : i32
    %mul3A_73 = arith.constant 1024 : i32
    %mul3A_74 = arith.muli %mul3A_2, %mul3A_73 : i32
    %add3A_75 = arith.constant 1048576 : i32
    %add3A_76 = arith.addi %add3A_75, %mul3A_74 : i32
    "tpu.region"() ({
      %run_scoped3A = tpu.sem_alloc : memref<!tpu.dma_semaphore, #tpu.memory_space<semaphore_mem>>
      %dma_start3A = tpu.memref_slice %arg4[%add3A_76] : memref<2097152xf32, #tpu.memory_space<hbm>> -> memref<8192xf32, #tpu.memory_space<hbm>>
      %dma_start3A_107 = tpu.memref_slice %arg4[%add3A_76] : memref<2097152xf32, #tpu.memory_space<hbm>> -> memref<8192xf32, #tpu.memory_space<hbm>>
      tpu.enqueue_dma source(%arg8 : memref<8192xf32, #tpu.memory_space<vmem>>) target(%dma_start3A_107 : memref<8192xf32, #tpu.memory_space<hbm>>) target_semaphore(%run_scoped3A : memref<!tpu.dma_semaphore, #tpu.memory_space<semaphore_mem>>)
      %dma_wait3A = tpu.memref_slice %arg4[%add3A_76] : memref<2097152xf32, #tpu.memory_space<hbm>> -> memref<8192xf32, #tpu.memory_space<hbm>>
      %dma_wait3A_108 = tpu.memref_slice %arg4[%add3A_76] : memref<2097152xf32, #tpu.memory_space<hbm>> -> memref<8192xf32, #tpu.memory_space<hbm>>
      tpu.wait_dma2 semaphore(%run_scoped3A : memref<!tpu.dma_semaphore, #tpu.memory_space<semaphore_mem>>) src(%arg8 : memref<8192xf32, #tpu.memory_space<vmem>>) dst(%dma_wait3A_108 : memref<8192xf32, #tpu.memory_space<hbm>>)
      tpu.yield
    }) : () -> ()
    %scan3A_77 = arith.constant 0 : i32
    %scan3A_78 = arith.constant 0 : i32
    %scan3A_79 = arith.constant 64 : i32
    %scan3A_80 = arith.addi %scan3A_78, %scan3A_79 : i32
    %scan3A_81 = arith.constant 1 : i32
    scf.for %scan3A_107 = %scan3A_78 to %scan3A_80 step %scan3A_81  : i32 {
      %mul3A_108 = arith.constant 16 : i32
      %mul3A_109 = arith.muli %scan3A_107, %mul3A_108 : i32
      %add3A_110 = arith.constant 5120 : i32
      %add3A_111 = arith.addi %add3A_110, %mul3A_109 : i32
      %get3A = arith.index_cast %add3A_111 : i32 to index
      %get3A_112 = tpu.vector_load %arg7[%get3A] {strides = array<i32>} : memref<8192xi32, #tpu.memory_space<vmem>>, vector<16xi32>,
      %add3A_113 = arith.constant 0 : i32
      %add3A_114 = vector.broadcast %add3A_113 : i32 to vector<16xi32>
      %add3A_115 = arith.addi %get3A_112, %add3A_114 : vector<16xi32>
      %gather3A = tpu.vector_load_idx %arg6[%add3A_115] : memref<8192xf32, #tpu.memory_space<vmem>>[vector<16xi32>], vector<16xf32>,
      %mul3A_116 = arith.constant 16 : i32
      %mul3A_117 = arith.muli %scan3A_107, %mul3A_116 : i32
      %add3A_118 = arith.constant 0 : i32
      %add3A_119 = arith.addi %add3A_118, %mul3A_117 : i32
      %swap3A = arith.index_cast %add3A_119 : i32 to index
      %swap3A_120 = tpu.vector_load %arg8[%swap3A] {strides = array<i32>} : memref<8192xf32, #tpu.memory_space<vmem>>, vector<16xf32>,
      tpu.vector_store %arg8[%swap3A], %gather3A {strides = array<i32>} : memref<8192xf32, #tpu.memory_space<vmem>>, vector<16xf32>,
      %add3A_121 = arith.constant 1024 : i32
      %add3A_122 = vector.broadcast %add3A_121 : i32 to vector<16xi32>
      %add3A_123 = arith.addi %get3A_112, %add3A_122 : vector<16xi32>
      %gather3A_124 = tpu.vector_load_idx %arg6[%add3A_123] : memref<8192xf32, #tpu.memory_space<vmem>>[vector<16xi32>], vector<16xf32>,
      %mul3A_125 = arith.constant 16 : i32
      %mul3A_126 = arith.muli %scan3A_107, %mul3A_125 : i32
      %add3A_127 = arith.constant 1024 : i32
      %add3A_128 = arith.addi %add3A_127, %mul3A_126 : i32
      %swap3A_129 = arith.index_cast %add3A_128 : i32 to index
      %swap3A_130 = tpu.vector_load %arg8[%swap3A_129] {strides = array<i32>} : memref<8192xf32, #tpu.memory_space<vmem>>, vector<16xf32>,
      tpu.vector_store %arg8[%swap3A_129], %gather3A_124 {strides = array<i32>} : memref<8192xf32, #tpu.memory_space<vmem>>, vector<16xf32>,
      %add3A_131 = arith.constant 2048 : i32
      %add3A_132 = vector.broadcast %add3A_131 : i32 to vector<16xi32>
      %add3A_133 = arith.addi %get3A_112, %add3A_132 : vector<16xi32>
      %gather3A_134 = tpu.vector_load_idx %arg6[%add3A_133] : memref<8192xf32, #tpu.memory_space<vmem>>[vector<16xi32>], vector<16xf32>,
      %mul3A_135 = arith.constant 16 : i32
      %mul3A_136 = arith.muli %scan3A_107, %mul3A_135 : i32
      %add3A_137 = arith.constant 2048 : i32
      %add3A_138 = arith.addi %add3A_137, %mul3A_136 : i32
      %swap3A_139 = arith.index_cast %add3A_138 : i32 to index
      %swap3A_140 = tpu.vector_load %arg8[%swap3A_139] {strides = array<i32>} : memref<8192xf32, #tpu.memory_space<vmem>>, vector<16xf32>,
      tpu.vector_store %arg8[%swap3A_139], %gather3A_134 {strides = array<i32>} : memref<8192xf32, #tpu.memory_space<vmem>>, vector<16xf32>,
      %add3A_141 = arith.constant 3072 : i32
      %add3A_142 = vector.broadcast %add3A_141 : i32 to vector<16xi32>
      %add3A_143 = arith.addi %get3A_112, %add3A_142 : vector<16xi32>
      %gather3A_144 = tpu.vector_load_idx %arg6[%add3A_143] : memref<8192xf32, #tpu.memory_space<vmem>>[vector<16xi32>], vector<16xf32>,
      %mul3A_145 = arith.constant 16 : i32
      %mul3A_146 = arith.muli %scan3A_107, %mul3A_145 : i32
      %add3A_147 = arith.constant 3072 : i32
      %add3A_148 = arith.addi %add3A_147, %mul3A_146 : i32
      %swap3A_149 = arith.index_cast %add3A_148 : i32 to index
      %swap3A_150 = tpu.vector_load %arg8[%swap3A_149] {strides = array<i32>} : memref<8192xf32, #tpu.memory_space<vmem>>, vector<16xf32>,
      tpu.vector_store %arg8[%swap3A_149], %gather3A_144 {strides = array<i32>} : memref<8192xf32, #tpu.memory_space<vmem>>, vector<16xf32>,
      %add3A_151 = arith.constant 4096 : i32
      %add3A_152 = vector.broadcast %add3A_151 : i32 to vector<16xi32>
      %add3A_153 = arith.addi %get3A_112, %add3A_152 : vector<16xi32>
      %gather3A_154 = tpu.vector_load_idx %arg6[%add3A_153] : memref<8192xf32, #tpu.memory_space<vmem>>[vector<16xi32>], vector<16xf32>,
      %mul3A_155 = arith.constant 16 : i32
      %mul3A_156 = arith.muli %scan3A_107, %mul3A_155 : i32
      %add3A_157 = arith.constant 4096 : i32
      %add3A_158 = arith.addi %add3A_157, %mul3A_156 : i32
      %swap3A_159 = arith.index_cast %add3A_158 : i32 to index
      %swap3A_160 = tpu.vector_load %arg8[%swap3A_159] {strides = array<i32>} : memref<8192xf32, #tpu.memory_space<vmem>>, vector<16xf32>,
      tpu.vector_store %arg8[%swap3A_159], %gather3A_154 {strides = array<i32>} : memref<8192xf32, #tpu.memory_space<vmem>>, vector<16xf32>,
      %add3A_161 = arith.constant 5120 : i32
      %add3A_162 = vector.broadcast %add3A_161 : i32 to vector<16xi32>
      %add3A_163 = arith.addi %get3A_112, %add3A_162 : vector<16xi32>
      %gather3A_164 = tpu.vector_load_idx %arg6[%add3A_163] : memref<8192xf32, #tpu.memory_space<vmem>>[vector<16xi32>], vector<16xf32>,
      %mul3A_165 = arith.constant 16 : i32
      %mul3A_166 = arith.muli %scan3A_107, %mul3A_165 : i32
      %add3A_167 = arith.constant 5120 : i32
      %add3A_168 = arith.addi %add3A_167, %mul3A_166 : i32
      %swap3A_169 = arith.index_cast %add3A_168 : i32 to index
      %swap3A_170 = tpu.vector_load %arg8[%swap3A_169] {strides = array<i32>} : memref<8192xf32, #tpu.memory_space<vmem>>, vector<16xf32>,
      tpu.vector_store %arg8[%swap3A_169], %gather3A_164 {strides = array<i32>} : memref<8192xf32, #tpu.memory_space<vmem>>, vector<16xf32>,
      %add3A_171 = arith.constant 6144 : i32
      %add3A_172 = vector.broadcast %add3A_171 : i32 to vector<16xi32>
      %add3A_173 = arith.addi %get3A_112, %add3A_172 : vector<16xi32>
      %gather3A_174 = tpu.vector_load_idx %arg6[%add3A_173] : memref<8192xf32, #tpu.memory_space<vmem>>[vector<16xi32>], vector<16xf32>,
      %mul3A_175 = arith.constant 16 : i32
      %mul3A_176 = arith.muli %scan3A_107, %mul3A_175 : i32
      %add3A_177 = arith.constant 6144 : i32
      %add3A_178 = arith.addi %add3A_177, %mul3A_176 : i32
      %swap3A_179 = arith.index_cast %add3A_178 : i32 to index
      %swap3A_180 = tpu.vector_load %arg8[%swap3A_179] {strides = array<i32>} : memref<8192xf32, #tpu.memory_space<vmem>>, vector<16xf32>,
      tpu.vector_store %arg8[%swap3A_179], %gather3A_174 {strides = array<i32>} : memref<8192xf32, #tpu.memory_space<vmem>>, vector<16xf32>,
      %add3A_181 = arith.constant 7168 : i32
      %add3A_182 = vector.broadcast %add3A_181 : i32 to vector<16xi32>
      %add3A_183 = arith.addi %get3A_112, %add3A_182 : vector<16xi32>
      %gather3A_184 = tpu.vector_load_idx %arg6[%add3A_183] : memref<8192xf32, #tpu.memory_space<vmem>>[vector<16xi32>], vector<16xf32>,
      %mul3A_185 = arith.constant 16 : i32
      %mul3A_186 = arith.muli %scan3A_107, %mul3A_185 : i32
      %add3A_187 = arith.constant 7168 : i32
      %add3A_188 = arith.addi %add3A_187, %mul3A_186 : i32
      %swap3A_189 = arith.index_cast %add3A_188 : i32 to index
      %swap3A_190 = tpu.vector_load %arg8[%swap3A_189] {strides = array<i32>} : memref<8192xf32, #tpu.memory_space<vmem>>, vector<16xf32>,
      tpu.vector_store %arg8[%swap3A_189], %gather3A_184 {strides = array<i32>} : memref<8192xf32, #tpu.memory_space<vmem>>, vector<16xf32>,
    }
    %scan3A_82 = arith.constant 64 : i32
    %mul3A_83 = arith.constant 1024 : i32
    %mul3A_84 = arith.muli %mul3A_2, %mul3A_83 : i32
    %add3A_85 = arith.constant 1310720 : i32
    %add3A_86 = arith.addi %add3A_85, %mul3A_84 : i32
    "tpu.region"() ({
      %run_scoped3A = tpu.sem_alloc : memref<!tpu.dma_semaphore, #tpu.memory_space<semaphore_mem>>
      %dma_start3A = tpu.memref_slice %arg4[%add3A_86] : memref<2097152xf32, #tpu.memory_space<hbm>> -> memref<8192xf32, #tpu.memory_space<hbm>>
      %dma_start3A_107 = tpu.memref_slice %arg4[%add3A_86] : memref<2097152xf32, #tpu.memory_space<hbm>> -> memref<8192xf32, #tpu.memory_space<hbm>>
      tpu.enqueue_dma source(%arg8 : memref<8192xf32, #tpu.memory_space<vmem>>) target(%dma_start3A_107 : memref<8192xf32, #tpu.memory_space<hbm>>) target_semaphore(%run_scoped3A : memref<!tpu.dma_semaphore, #tpu.memory_space<semaphore_mem>>)
      %dma_wait3A = tpu.memref_slice %arg4[%add3A_86] : memref<2097152xf32, #tpu.memory_space<hbm>> -> memref<8192xf32, #tpu.memory_space<hbm>>
      %dma_wait3A_108 = tpu.memref_slice %arg4[%add3A_86] : memref<2097152xf32, #tpu.memory_space<hbm>> -> memref<8192xf32, #tpu.memory_space<hbm>>
      tpu.wait_dma2 semaphore(%run_scoped3A : memref<!tpu.dma_semaphore, #tpu.memory_space<semaphore_mem>>) src(%arg8 : memref<8192xf32, #tpu.memory_space<vmem>>) dst(%dma_wait3A_108 : memref<8192xf32, #tpu.memory_space<hbm>>)
      tpu.yield
    }) : () -> ()
    %scan3A_87 = arith.constant 0 : i32
    %scan3A_88 = arith.constant 0 : i32
    %scan3A_89 = arith.constant 64 : i32
    %scan3A_90 = arith.addi %scan3A_88, %scan3A_89 : i32
    %scan3A_91 = arith.constant 1 : i32
    scf.for %scan3A_107 = %scan3A_88 to %scan3A_90 step %scan3A_91  : i32 {
      %mul3A_108 = arith.constant 16 : i32
      %mul3A_109 = arith.muli %scan3A_107, %mul3A_108 : i32
      %add3A_110 = arith.constant 6144 : i32
      %add3A_111 = arith.addi %add3A_110, %mul3A_109 : i32
      %get3A = arith.index_cast %add3A_111 : i32 to index
      %get3A_112 = tpu.vector_load %arg7[%get3A] {strides = array<i32>} : memref<8192xi32, #tpu.memory_space<vmem>>, vector<16xi32>,
      %add3A_113 = arith.constant 0 : i32
      %add3A_114 = vector.broadcast %add3A_113 : i32 to vector<16xi32>
      %add3A_115 = arith.addi %get3A_112, %add3A_114 : vector<16xi32>
      %gather3A = tpu.vector_load_idx %arg6[%add3A_115] : memref<8192xf32, #tpu.memory_space<vmem>>[vector<16xi32>], vector<16xf32>,
      %mul3A_116 = arith.constant 16 : i32
      %mul3A_117 = arith.muli %scan3A_107, %mul3A_116 : i32
      %add3A_118 = arith.constant 0 : i32
      %add3A_119 = arith.addi %add3A_118, %mul3A_117 : i32
      %swap3A = arith.index_cast %add3A_119 : i32 to index
      %swap3A_120 = tpu.vector_load %arg8[%swap3A] {strides = array<i32>} : memref<8192xf32, #tpu.memory_space<vmem>>, vector<16xf32>,
      tpu.vector_store %arg8[%swap3A], %gather3A {strides = array<i32>} : memref<8192xf32, #tpu.memory_space<vmem>>, vector<16xf32>,
      %add3A_121 = arith.constant 1024 : i32
      %add3A_122 = vector.broadcast %add3A_121 : i32 to vector<16xi32>
      %add3A_123 = arith.addi %get3A_112, %add3A_122 : vector<16xi32>
      %gather3A_124 = tpu.vector_load_idx %arg6[%add3A_123] : memref<8192xf32, #tpu.memory_space<vmem>>[vector<16xi32>], vector<16xf32>,
      %mul3A_125 = arith.constant 16 : i32
      %mul3A_126 = arith.muli %scan3A_107, %mul3A_125 : i32
      %add3A_127 = arith.constant 1024 : i32
      %add3A_128 = arith.addi %add3A_127, %mul3A_126 : i32
      %swap3A_129 = arith.index_cast %add3A_128 : i32 to index
      %swap3A_130 = tpu.vector_load %arg8[%swap3A_129] {strides = array<i32>} : memref<8192xf32, #tpu.memory_space<vmem>>, vector<16xf32>,
      tpu.vector_store %arg8[%swap3A_129], %gather3A_124 {strides = array<i32>} : memref<8192xf32, #tpu.memory_space<vmem>>, vector<16xf32>,
      %add3A_131 = arith.constant 2048 : i32
      %add3A_132 = vector.broadcast %add3A_131 : i32 to vector<16xi32>
      %add3A_133 = arith.addi %get3A_112, %add3A_132 : vector<16xi32>
      %gather3A_134 = tpu.vector_load_idx %arg6[%add3A_133] : memref<8192xf32, #tpu.memory_space<vmem>>[vector<16xi32>], vector<16xf32>,
      %mul3A_135 = arith.constant 16 : i32
      %mul3A_136 = arith.muli %scan3A_107, %mul3A_135 : i32
      %add3A_137 = arith.constant 2048 : i32
      %add3A_138 = arith.addi %add3A_137, %mul3A_136 : i32
      %swap3A_139 = arith.index_cast %add3A_138 : i32 to index
      %swap3A_140 = tpu.vector_load %arg8[%swap3A_139] {strides = array<i32>} : memref<8192xf32, #tpu.memory_space<vmem>>, vector<16xf32>,
      tpu.vector_store %arg8[%swap3A_139], %gather3A_134 {strides = array<i32>} : memref<8192xf32, #tpu.memory_space<vmem>>, vector<16xf32>,
      %add3A_141 = arith.constant 3072 : i32
      %add3A_142 = vector.broadcast %add3A_141 : i32 to vector<16xi32>
      %add3A_143 = arith.addi %get3A_112, %add3A_142 : vector<16xi32>
      %gather3A_144 = tpu.vector_load_idx %arg6[%add3A_143] : memref<8192xf32, #tpu.memory_space<vmem>>[vector<16xi32>], vector<16xf32>,
      %mul3A_145 = arith.constant 16 : i32
      %mul3A_146 = arith.muli %scan3A_107, %mul3A_145 : i32
      %add3A_147 = arith.constant 3072 : i32
      %add3A_148 = arith.addi %add3A_147, %mul3A_146 : i32
      %swap3A_149 = arith.index_cast %add3A_148 : i32 to index
      %swap3A_150 = tpu.vector_load %arg8[%swap3A_149] {strides = array<i32>} : memref<8192xf32, #tpu.memory_space<vmem>>, vector<16xf32>,
      tpu.vector_store %arg8[%swap3A_149], %gather3A_144 {strides = array<i32>} : memref<8192xf32, #tpu.memory_space<vmem>>, vector<16xf32>,
      %add3A_151 = arith.constant 4096 : i32
      %add3A_152 = vector.broadcast %add3A_151 : i32 to vector<16xi32>
      %add3A_153 = arith.addi %get3A_112, %add3A_152 : vector<16xi32>
      %gather3A_154 = tpu.vector_load_idx %arg6[%add3A_153] : memref<8192xf32, #tpu.memory_space<vmem>>[vector<16xi32>], vector<16xf32>,
      %mul3A_155 = arith.constant 16 : i32
      %mul3A_156 = arith.muli %scan3A_107, %mul3A_155 : i32
      %add3A_157 = arith.constant 4096 : i32
      %add3A_158 = arith.addi %add3A_157, %mul3A_156 : i32
      %swap3A_159 = arith.index_cast %add3A_158 : i32 to index
      %swap3A_160 = tpu.vector_load %arg8[%swap3A_159] {strides = array<i32>} : memref<8192xf32, #tpu.memory_space<vmem>>, vector<16xf32>,
      tpu.vector_store %arg8[%swap3A_159], %gather3A_154 {strides = array<i32>} : memref<8192xf32, #tpu.memory_space<vmem>>, vector<16xf32>,
      %add3A_161 = arith.constant 5120 : i32
      %add3A_162 = vector.broadcast %add3A_161 : i32 to vector<16xi32>
      %add3A_163 = arith.addi %get3A_112, %add3A_162 : vector<16xi32>
      %gather3A_164 = tpu.vector_load_idx %arg6[%add3A_163] : memref<8192xf32, #tpu.memory_space<vmem>>[vector<16xi32>], vector<16xf32>,
      %mul3A_165 = arith.constant 16 : i32
      %mul3A_166 = arith.muli %scan3A_107, %mul3A_165 : i32
      %add3A_167 = arith.constant 5120 : i32
      %add3A_168 = arith.addi %add3A_167, %mul3A_166 : i32
      %swap3A_169 = arith.index_cast %add3A_168 : i32 to index
      %swap3A_170 = tpu.vector_load %arg8[%swap3A_169] {strides = array<i32>} : memref<8192xf32, #tpu.memory_space<vmem>>, vector<16xf32>,
      tpu.vector_store %arg8[%swap3A_169], %gather3A_164 {strides = array<i32>} : memref<8192xf32, #tpu.memory_space<vmem>>, vector<16xf32>,
      %add3A_171 = arith.constant 6144 : i32
      %add3A_172 = vector.broadcast %add3A_171 : i32 to vector<16xi32>
      %add3A_173 = arith.addi %get3A_112, %add3A_172 : vector<16xi32>
      %gather3A_174 = tpu.vector_load_idx %arg6[%add3A_173] : memref<8192xf32, #tpu.memory_space<vmem>>[vector<16xi32>], vector<16xf32>,
      %mul3A_175 = arith.constant 16 : i32
      %mul3A_176 = arith.muli %scan3A_107, %mul3A_175 : i32
      %add3A_177 = arith.constant 6144 : i32
      %add3A_178 = arith.addi %add3A_177, %mul3A_176 : i32
      %swap3A_179 = arith.index_cast %add3A_178 : i32 to index
      %swap3A_180 = tpu.vector_load %arg8[%swap3A_179] {strides = array<i32>} : memref<8192xf32, #tpu.memory_space<vmem>>, vector<16xf32>,
      tpu.vector_store %arg8[%swap3A_179], %gather3A_174 {strides = array<i32>} : memref<8192xf32, #tpu.memory_space<vmem>>, vector<16xf32>,
      %add3A_181 = arith.constant 7168 : i32
      %add3A_182 = vector.broadcast %add3A_181 : i32 to vector<16xi32>
      %add3A_183 = arith.addi %get3A_112, %add3A_182 : vector<16xi32>
      %gather3A_184 = tpu.vector_load_idx %arg6[%add3A_183] : memref<8192xf32, #tpu.memory_space<vmem>>[vector<16xi32>], vector<16xf32>,
      %mul3A_185 = arith.constant 16 : i32
      %mul3A_186 = arith.muli %scan3A_107, %mul3A_185 : i32
      %add3A_187 = arith.constant 7168 : i32
      %add3A_188 = arith.addi %add3A_187, %mul3A_186 : i32
      %swap3A_189 = arith.index_cast %add3A_188 : i32 to index
      %swap3A_190 = tpu.vector_load %arg8[%swap3A_189] {strides = array<i32>} : memref<8192xf32, #tpu.memory_space<vmem>>, vector<16xf32>,
      tpu.vector_store %arg8[%swap3A_189], %gather3A_184 {strides = array<i32>} : memref<8192xf32, #tpu.memory_space<vmem>>, vector<16xf32>,
    }
    %scan3A_92 = arith.constant 64 : i32
    %mul3A_93 = arith.constant 1024 : i32
    %mul3A_94 = arith.muli %mul3A_2, %mul3A_93 : i32
    %add3A_95 = arith.constant 1572864 : i32
    %add3A_96 = arith.addi %add3A_95, %mul3A_94 : i32
    "tpu.region"() ({
      %run_scoped3A = tpu.sem_alloc : memref<!tpu.dma_semaphore, #tpu.memory_space<semaphore_mem>>
      %dma_start3A = tpu.memref_slice %arg4[%add3A_96] : memref<2097152xf32, #tpu.memory_space<hbm>> -> memref<8192xf32, #tpu.memory_space<hbm>>
      %dma_start3A_107 = tpu.memref_slice %arg4[%add3A_96] : memref<2097152xf32, #tpu.memory_space<hbm>> -> memref<8192xf32, #tpu.memory_space<hbm>>
      tpu.enqueue_dma source(%arg8 : memref<8192xf32, #tpu.memory_space<vmem>>) target(%dma_start3A_107 : memref<8192xf32, #tpu.memory_space<hbm>>) target_semaphore(%run_scoped3A : memref<!tpu.dma_semaphore, #tpu.memory_space<semaphore_mem>>)
      %dma_wait3A = tpu.memref_slice %arg4[%add3A_96] : memref<2097152xf32, #tpu.memory_space<hbm>> -> memref<8192xf32, #tpu.memory_space<hbm>>
      %dma_wait3A_108 = tpu.memref_slice %arg4[%add3A_96] : memref<2097152xf32, #tpu.memory_space<hbm>> -> memref<8192xf32, #tpu.memory_space<hbm>>
      tpu.wait_dma2 semaphore(%run_scoped3A : memref<!tpu.dma_semaphore, #tpu.memory_space<semaphore_mem>>) src(%arg8 : memref<8192xf32, #tpu.memory_space<vmem>>) dst(%dma_wait3A_108 : memref<8192xf32, #tpu.memory_space<hbm>>)
      tpu.yield
    }) : () -> ()
    %scan3A_97 = arith.constant 0 : i32
    %scan3A_98 = arith.constant 0 : i32
    %scan3A_99 = arith.constant 64 : i32
    %scan3A_100 = arith.addi %scan3A_98, %scan3A_99 : i32
    %scan3A_101 = arith.constant 1 : i32
    scf.for %scan3A_107 = %scan3A_98 to %scan3A_100 step %scan3A_101  : i32 {
      %mul3A_108 = arith.constant 16 : i32
      %mul3A_109 = arith.muli %scan3A_107, %mul3A_108 : i32
      %add3A_110 = arith.constant 7168 : i32
      %add3A_111 = arith.addi %add3A_110, %mul3A_109 : i32
      %get3A = arith.index_cast %add3A_111 : i32 to index
      %get3A_112 = tpu.vector_load %arg7[%get3A] {strides = array<i32>} : memref<8192xi32, #tpu.memory_space<vmem>>, vector<16xi32>,
      %add3A_113 = arith.constant 0 : i32
      %add3A_114 = vector.broadcast %add3A_113 : i32 to vector<16xi32>
      %add3A_115 = arith.addi %get3A_112, %add3A_114 : vector<16xi32>
      %gather3A = tpu.vector_load_idx %arg6[%add3A_115] : memref<8192xf32, #tpu.memory_space<vmem>>[vector<16xi32>], vector<16xf32>,
      %mul3A_116 = arith.constant 16 : i32
      %mul3A_117 = arith.muli %scan3A_107, %mul3A_116 : i32
      %add3A_118 = arith.constant 0 : i32
      %add3A_119 = arith.addi %add3A_118, %mul3A_117 : i32
      %swap3A = arith.index_cast %add3A_119 : i32 to index
      %swap3A_120 = tpu.vector_load %arg8[%swap3A] {strides = array<i32>} : memref<8192xf32, #tpu.memory_space<vmem>>, vector<16xf32>,
      tpu.vector_store %arg8[%swap3A], %gather3A {strides = array<i32>} : memref<8192xf32, #tpu.memory_space<vmem>>, vector<16xf32>,
      %add3A_121 = arith.constant 1024 : i32
      %add3A_122 = vector.broadcast %add3A_121 : i32 to vector<16xi32>
      %add3A_123 = arith.addi %get3A_112, %add3A_122 : vector<16xi32>
      %gather3A_124 = tpu.vector_load_idx %arg6[%add3A_123] : memref<8192xf32, #tpu.memory_space<vmem>>[vector<16xi32>], vector<16xf32>,
      %mul3A_125 = arith.constant 16 : i32
      %mul3A_126 = arith.muli %scan3A_107, %mul3A_125 : i32
      %add3A_127 = arith.constant 1024 : i32
      %add3A_128 = arith.addi %add3A_127, %mul3A_126 : i32
      %swap3A_129 = arith.index_cast %add3A_128 : i32 to index
      %swap3A_130 = tpu.vector_load %arg8[%swap3A_129] {strides = array<i32>} : memref<8192xf32, #tpu.memory_space<vmem>>, vector<16xf32>,
      tpu.vector_store %arg8[%swap3A_129], %gather3A_124 {strides = array<i32>} : memref<8192xf32, #tpu.memory_space<vmem>>, vector<16xf32>,
      %add3A_131 = arith.constant 2048 : i32
      %add3A_132 = vector.broadcast %add3A_131 : i32 to vector<16xi32>
      %add3A_133 = arith.addi %get3A_112, %add3A_132 : vector<16xi32>
      %gather3A_134 = tpu.vector_load_idx %arg6[%add3A_133] : memref<8192xf32, #tpu.memory_space<vmem>>[vector<16xi32>], vector<16xf32>,
      %mul3A_135 = arith.constant 16 : i32
      %mul3A_136 = arith.muli %scan3A_107, %mul3A_135 : i32
      %add3A_137 = arith.constant 2048 : i32
      %add3A_138 = arith.addi %add3A_137, %mul3A_136 : i32
      %swap3A_139 = arith.index_cast %add3A_138 : i32 to index
      %swap3A_140 = tpu.vector_load %arg8[%swap3A_139] {strides = array<i32>} : memref<8192xf32, #tpu.memory_space<vmem>>, vector<16xf32>,
      tpu.vector_store %arg8[%swap3A_139], %gather3A_134 {strides = array<i32>} : memref<8192xf32, #tpu.memory_space<vmem>>, vector<16xf32>,
      %add3A_141 = arith.constant 3072 : i32
      %add3A_142 = vector.broadcast %add3A_141 : i32 to vector<16xi32>
      %add3A_143 = arith.addi %get3A_112, %add3A_142 : vector<16xi32>
      %gather3A_144 = tpu.vector_load_idx %arg6[%add3A_143] : memref<8192xf32, #tpu.memory_space<vmem>>[vector<16xi32>], vector<16xf32>,
      %mul3A_145 = arith.constant 16 : i32
      %mul3A_146 = arith.muli %scan3A_107, %mul3A_145 : i32
      %add3A_147 = arith.constant 3072 : i32
      %add3A_148 = arith.addi %add3A_147, %mul3A_146 : i32
      %swap3A_149 = arith.index_cast %add3A_148 : i32 to index
      %swap3A_150 = tpu.vector_load %arg8[%swap3A_149] {strides = array<i32>} : memref<8192xf32, #tpu.memory_space<vmem>>, vector<16xf32>,
      tpu.vector_store %arg8[%swap3A_149], %gather3A_144 {strides = array<i32>} : memref<8192xf32, #tpu.memory_space<vmem>>, vector<16xf32>,
      %add3A_151 = arith.constant 4096 : i32
      %add3A_152 = vector.broadcast %add3A_151 : i32 to vector<16xi32>
      %add3A_153 = arith.addi %get3A_112, %add3A_152 : vector<16xi32>
      %gather3A_154 = tpu.vector_load_idx %arg6[%add3A_153] : memref<8192xf32, #tpu.memory_space<vmem>>[vector<16xi32>], vector<16xf32>,
      %mul3A_155 = arith.constant 16 : i32
      %mul3A_156 = arith.muli %scan3A_107, %mul3A_155 : i32
      %add3A_157 = arith.constant 4096 : i32
      %add3A_158 = arith.addi %add3A_157, %mul3A_156 : i32
      %swap3A_159 = arith.index_cast %add3A_158 : i32 to index
      %swap3A_160 = tpu.vector_load %arg8[%swap3A_159] {strides = array<i32>} : memref<8192xf32, #tpu.memory_space<vmem>>, vector<16xf32>,
      tpu.vector_store %arg8[%swap3A_159], %gather3A_154 {strides = array<i32>} : memref<8192xf32, #tpu.memory_space<vmem>>, vector<16xf32>,
      %add3A_161 = arith.constant 5120 : i32
      %add3A_162 = vector.broadcast %add3A_161 : i32 to vector<16xi32>
      %add3A_163 = arith.addi %get3A_112, %add3A_162 : vector<16xi32>
      %gather3A_164 = tpu.vector_load_idx %arg6[%add3A_163] : memref<8192xf32, #tpu.memory_space<vmem>>[vector<16xi32>], vector<16xf32>,
      %mul3A_165 = arith.constant 16 : i32
      %mul3A_166 = arith.muli %scan3A_107, %mul3A_165 : i32
      %add3A_167 = arith.constant 5120 : i32
      %add3A_168 = arith.addi %add3A_167, %mul3A_166 : i32
      %swap3A_169 = arith.index_cast %add3A_168 : i32 to index
      %swap3A_170 = tpu.vector_load %arg8[%swap3A_169] {strides = array<i32>} : memref<8192xf32, #tpu.memory_space<vmem>>, vector<16xf32>,
      tpu.vector_store %arg8[%swap3A_169], %gather3A_164 {strides = array<i32>} : memref<8192xf32, #tpu.memory_space<vmem>>, vector<16xf32>,
      %add3A_171 = arith.constant 6144 : i32
      %add3A_172 = vector.broadcast %add3A_171 : i32 to vector<16xi32>
      %add3A_173 = arith.addi %get3A_112, %add3A_172 : vector<16xi32>
      %gather3A_174 = tpu.vector_load_idx %arg6[%add3A_173] : memref<8192xf32, #tpu.memory_space<vmem>>[vector<16xi32>], vector<16xf32>,
      %mul3A_175 = arith.constant 16 : i32
      %mul3A_176 = arith.muli %scan3A_107, %mul3A_175 : i32
      %add3A_177 = arith.constant 6144 : i32
      %add3A_178 = arith.addi %add3A_177, %mul3A_176 : i32
      %swap3A_179 = arith.index_cast %add3A_178 : i32 to index
      %swap3A_180 = tpu.vector_load %arg8[%swap3A_179] {strides = array<i32>} : memref<8192xf32, #tpu.memory_space<vmem>>, vector<16xf32>,
      tpu.vector_store %arg8[%swap3A_179], %gather3A_174 {strides = array<i32>} : memref<8192xf32, #tpu.memory_space<vmem>>, vector<16xf32>,
      %add3A_181 = arith.constant 7168 : i32
      %add3A_182 = vector.broadcast %add3A_181 : i32 to vector<16xi32>
      %add3A_183 = arith.addi %get3A_112, %add3A_182 : vector<16xi32>
      %gather3A_184 = tpu.vector_load_idx %arg6[%add3A_183] : memref<8192xf32, #tpu.memory_space<vmem>>[vector<16xi32>], vector<16xf32>,
      %mul3A_185 = arith.constant 16 : i32
      %mul3A_186 = arith.muli %scan3A_107, %mul3A_185 : i32
      %add3A_187 = arith.constant 7168 : i32
      %add3A_188 = arith.addi %add3A_187, %mul3A_186 : i32
      %swap3A_189 = arith.index_cast %add3A_188 : i32 to index
      %swap3A_190 = tpu.vector_load %arg8[%swap3A_189] {strides = array<i32>} : memref<8192xf32, #tpu.memory_space<vmem>>, vector<16xf32>,
      tpu.vector_store %arg8[%swap3A_189], %gather3A_184 {strides = array<i32>} : memref<8192xf32, #tpu.memory_space<vmem>>, vector<16xf32>,
    }
    %scan3A_102 = arith.constant 64 : i32
    %mul3A_103 = arith.constant 1024 : i32
    %mul3A_104 = arith.muli %mul3A_2, %mul3A_103 : i32
    %add3A_105 = arith.constant 1835008 : i32
    %add3A_106 = arith.addi %add3A_105, %mul3A_104 : i32
    "tpu.region"() ({
      %run_scoped3A = tpu.sem_alloc : memref<!tpu.dma_semaphore, #tpu.memory_space<semaphore_mem>>
      %dma_start3A = tpu.memref_slice %arg4[%add3A_106] : memref<2097152xf32, #tpu.memory_space<hbm>> -> memref<8192xf32, #tpu.memory_space<hbm>>
      %dma_start3A_107 = tpu.memref_slice %arg4[%add3A_106] : memref<2097152xf32, #tpu.memory_space<hbm>> -> memref<8192xf32, #tpu.memory_space<hbm>>
      tpu.enqueue_dma source(%arg8 : memref<8192xf32, #tpu.memory_space<vmem>>) target(%dma_start3A_107 : memref<8192xf32, #tpu.memory_space<hbm>>) target_semaphore(%run_scoped3A : memref<!tpu.dma_semaphore, #tpu.memory_space<semaphore_mem>>)
      %dma_wait3A = tpu.memref_slice %arg4[%add3A_106] : memref<2097152xf32, #tpu.memory_space<hbm>> -> memref<8192xf32, #tpu.memory_space<hbm>>
      %dma_wait3A_108 = tpu.memref_slice %arg4[%add3A_106] : memref<2097152xf32, #tpu.memory_space<hbm>> -> memref<8192xf32, #tpu.memory_space<hbm>>
      tpu.wait_dma2 semaphore(%run_scoped3A : memref<!tpu.dma_semaphore, #tpu.memory_space<semaphore_mem>>) src(%arg8 : memref<8192xf32, #tpu.memory_space<vmem>>) dst(%dma_wait3A_108 : memref<8192xf32, #tpu.memory_space<hbm>>)
      tpu.yield
    }) : () -> ()
    return
  }
}

module attributes {stable_mosaic.version = 14 : i64} {
  func.func @_dist_body(%arg0: i32, %arg1: memref<1x256x1024xf32, #tpu.memory_space<vmem>>, %arg2: memref<1024x256xf32, #tpu.memory_space<vmem>>, %arg3: memref<1x1x1024xi32, #tpu.memory_space<vmem>>, %arg4: memref<1x1xf32, #tpu.memory_space<smem>>, %arg5: memref<1x1xf32, #tpu.memory_space<smem>>, %arg6: memref<256x1xf32, #tpu.memory_space<vmem>>) attributes {dimension_semantics = [#tpu.dimension_semantics<arbitrary>], iteration_bounds = array<i64: 8>, scalar_prefetch = 0 : i64, scratch_operands = 0 : i64, tpu.core_type = #tpu.core_type<tc>, window_params = [{transform_indices = @transform_0, window_bounds = array<i64: 1, 256, 1024>}, {pipeline_mode = #tpu.pipeline_mode<synchronous>, transform_indices = @transform_1, window_bounds = array<i64: 1024, 256>}, {transform_indices = @transform_2, window_bounds = array<i64: 1, 1, 1024>}, {transform_indices = @transform_3, window_bounds = array<i64: 1, 1>}, {transform_indices = @transform_4, window_bounds = array<i64: 1, 1>}, {pipeline_mode = #tpu.pipeline_mode<synchronous>, transform_indices = @transform_5, window_bounds = array<i64: 256, 1>}]} {
    %get3A = arith.constant 0 : index
    %get3A_0 = arith.constant 0 : index
    %get3A_1 = arith.constant 0 : index
    %get3A_2 = vector.load %arg1[%get3A, %get3A_0, %get3A_1] : memref<1x256x1024xf32, #tpu.memory_space<vmem>>, vector<1x256x1024xf32>
    %get3A_3 = vector.shape_cast %get3A_2 : vector<1x256x1024xf32> to vector<256x1024xf32>
    %get3A_4 = arith.constant 0 : index
    %get3A_5 = arith.constant 0 : index
    %get3A_6 = vector.load %arg2[%get3A_4, %get3A_5] : memref<1024x256xf32, #tpu.memory_space<vmem>>, vector<1024x256xf32>
    %add3A = arith.addf %get3A_6, %get3A_6 : vector<1024x256xf32>
    %dot_general3A = arith.constant dense<0.000000e+00> : vector<1024x1024xf32>
    %dot_general3A_7 = tpu.matmul %add3A, %get3A_3, %dot_general3A {dimension_numbers = #tpu.dot_dimension_numbers<[1], [0], [0], [1], [0, 0, 1, 1], [], []>, transpose_lhs_hint = false} : vector<1024x256xf32>, vector<256x1024xf32>, vector<1024x1024xf32> -> vector<1024x1024xf32>
    %mul3A = arith.mulf %get3A_3, %get3A_3 : vector<256x1024xf32>
    %reduce_sum3A = arith.constant dense<0.000000e+00> : vector<1024xf32>
    %reduce_sum3A_8 = vector.multi_reduction <add>, %mul3A, %reduce_sum3A [0] : vector<256x1024xf32> to vector<1024xf32>
    %broadcast_in_dim3A = vector.shape_cast %reduce_sum3A_8 : vector<1024xf32> to vector<1x1024xf32>
    %mul3A_9 = arith.mulf %get3A_6, %get3A_6 : vector<1024x256xf32>
    %reduce_sum3A_10 = arith.constant dense<0.000000e+00> : vector<1024xf32>
    %reduce_sum3A_11 = vector.multi_reduction <add>, %mul3A_9, %reduce_sum3A_10 [1] : vector<1024x256xf32> to vector<1024xf32>
    %broadcast_in_dim3A_12 = vector.shape_cast %reduce_sum3A_11 : vector<1024xf32> to vector<1024x1xf32>
    %add3A_13 = vector.broadcast %broadcast_in_dim3A : vector<1x1024xf32> to vector<1024x1024xf32>
    %add3A_14 = vector.broadcast %broadcast_in_dim3A_12 : vector<1024x1xf32> to vector<1024x1024xf32>
    %add3A_15 = arith.addf %add3A_13, %add3A_14 : vector<1024x1024xf32>
    %sub3A = arith.subf %add3A_15, %dot_general3A_7 : vector<1024x1024xf32>
    %reduce_min3A = arith.constant dense<0x7F800000> : vector<1024xf32>
    %reduce_min3A_16 = vector.multi_reduction <minimumf>, %sub3A, %reduce_min3A [0] : vector<1024x1024xf32> to vector<1024xf32>
    %broadcast_in_dim3A_17 = vector.shape_cast %reduce_min3A_16 : vector<1024xf32> to vector<1x1024xf32>
    %iota3A = tpu.iota {dimensions = array<i32: 0>} : vector<1024x1024xi32>
    %eq3A = vector.broadcast %broadcast_in_dim3A_17 : vector<1x1024xf32> to vector<1024x1024xf32>
    %eq3A_18 = arith.cmpf oeq, %sub3A, %eq3A : vector<1024x1024xf32>
    %jit3A = arith.constant 1073741824 : i32
    %broadcast_in_dim3A_19 = vector.broadcast %jit3A : i32 to vector<1024x1024xi32>
    %select_n3A = arith.select %eq3A_18, %iota3A, %broadcast_in_dim3A_19 : vector<1024x1024xi1>, vector<1024x1024xi32>
    %reduce_min3A_20 = arith.constant dense<2147483647> : vector<1024xi32>
    %reduce_min3A_21 = vector.multi_reduction <minsi>, %select_n3A, %reduce_min3A_20 [0] : vector<1024x1024xi32> to vector<1024xi32>
    %broadcast_in_dim3A_22 = vector.shape_cast %reduce_min3A_21 : vector<1024xi32> to vector<1x1024xi32>
    %swap3A = arith.constant 0 : index
    %swap3A_23 = arith.constant 0 : index
    %swap3A_24 = arith.constant 0 : index
    %swap3A_25 = vector.load %arg3[%swap3A, %swap3A_23, %swap3A_24] : memref<1x1x1024xi32, #tpu.memory_space<vmem>>, vector<1x1x1024xi32>
    %swap3A_26 = vector.shape_cast %swap3A_25 : vector<1x1x1024xi32> to vector<1x1024xi32>
    %swap3A_27 = vector.shape_cast %broadcast_in_dim3A_22 : vector<1x1024xi32> to vector<1x1x1024xi32>
    tpu.vector_store %arg3[%swap3A, %swap3A_23, %swap3A_24], %swap3A_27 {strides = array<i32>} : memref<1x1x1024xi32, #tpu.memory_space<vmem>>, vector<1x1x1024xi32>,
    %reduce_sum3A_28 = vector.shape_cast %broadcast_in_dim3A : vector<1x1024xf32> to vector<1x1x1024xf32>
    %reduce_sum3A_29 = arith.constant dense<0.000000e+00> : vector<1xf32>
    %reduce_sum3A_30 = vector.multi_reduction <add>, %reduce_sum3A_28, %reduce_sum3A_29 [1, 2] : vector<1x1x1024xf32> to vector<1xf32>
    %reduce_sum3A_31 = vector.shape_cast %reduce_sum3A_30 : vector<1xf32> to vector<1x1x1xf32>
    %reduce_sum3A_32 = vector.extract %reduce_sum3A_31[0, 0, 0] : f32 from vector<1x1x1xf32>
    %reduce_sum3A_33 = vector.shape_cast %broadcast_in_dim3A_17 : vector<1x1024xf32> to vector<1x1x1024xf32>
    %reduce_sum3A_34 = arith.constant dense<0.000000e+00> : vector<1xf32>
    %reduce_sum3A_35 = vector.multi_reduction <add>, %reduce_sum3A_33, %reduce_sum3A_34 [1, 2] : vector<1x1x1024xf32> to vector<1xf32>
    %reduce_sum3A_36 = vector.shape_cast %reduce_sum3A_35 : vector<1xf32> to vector<1x1x1xf32>
    %reduce_sum3A_37 = vector.extract %reduce_sum3A_36[0, 0, 0] : f32 from vector<1x1x1xf32>
    %reduce_sum3A_38 = arith.constant dense<0.000000e+00> : vector<256xf32>
    %reduce_sum3A_39 = vector.multi_reduction <add>, %get3A_3, %reduce_sum3A_38 [1] : vector<256x1024xf32> to vector<256xf32>
    %broadcast_in_dim3A_40 = vector.shape_cast %reduce_sum3A_39 : vector<256xf32> to vector<256x1xf32>
    %eq3A_41 = arith.constant 0 : i32
    %eq3A_42 = arith.cmpi eq, %arg0, %eq3A_41 : i32
    %convert_element_type3A = arith.extui %eq3A_42 : i1 to i32
    %cond3A = arith.constant 0 : i32
    %cond3A_43 = arith.cmpi ne, %convert_element_type3A, %cond3A : i32
    scf.if %cond3A_43 {
      %swap3A_48 = arith.constant 0 : index
      %swap3A_49 = arith.constant 0 : index
      %swap3A_50 = memref.load %arg4[%swap3A_48, %swap3A_49] : memref<1x1xf32, #tpu.memory_space<smem>>
      memref.store %reduce_sum3A_32, %arg4[%swap3A_48, %swap3A_49] : memref<1x1xf32, #tpu.memory_space<smem>>
      %swap3A_51 = arith.constant 0 : index
      %swap3A_52 = arith.constant 0 : index
      %swap3A_53 = memref.load %arg5[%swap3A_51, %swap3A_52] : memref<1x1xf32, #tpu.memory_space<smem>>
      memref.store %reduce_sum3A_37, %arg5[%swap3A_51, %swap3A_52] : memref<1x1xf32, #tpu.memory_space<smem>>
      %swap3A_54 = arith.constant 0 : index
      %swap3A_55 = arith.constant 0 : index
      %swap3A_56 = vector.load %arg6[%swap3A_54, %swap3A_55] : memref<256x1xf32, #tpu.memory_space<vmem>>, vector<256x1xf32>
      tpu.vector_store %arg6[%swap3A_54, %swap3A_55], %broadcast_in_dim3A_40 {strides = array<i32>} : memref<256x1xf32, #tpu.memory_space<vmem>>, vector<256x1xf32>,
    } else {
    }
    %gt3A = arith.constant 0 : i32
    %gt3A_44 = arith.cmpi sgt, %arg0, %gt3A : i32
    %convert_element_type3A_45 = arith.extui %gt3A_44 : i1 to i32
    %cond3A_46 = arith.constant 0 : i32
    %cond3A_47 = arith.cmpi ne, %convert_element_type3A_45, %cond3A_46 : i32
    scf.if %cond3A_47 {
      %get3A_48 = arith.constant 0 : index
      %get3A_49 = arith.constant 0 : index
      %get3A_50 = memref.load %arg4[%get3A_48, %get3A_49] : memref<1x1xf32, #tpu.memory_space<smem>>
      %add3A_51 = arith.addf %get3A_50, %reduce_sum3A_32 : f32
      %swap3A_52 = arith.constant 0 : index
      %swap3A_53 = arith.constant 0 : index
      %swap3A_54 = memref.load %arg4[%swap3A_52, %swap3A_53] : memref<1x1xf32, #tpu.memory_space<smem>>
      memref.store %add3A_51, %arg4[%swap3A_52, %swap3A_53] : memref<1x1xf32, #tpu.memory_space<smem>>
      %get3A_55 = arith.constant 0 : index
      %get3A_56 = arith.constant 0 : index
      %get3A_57 = memref.load %arg5[%get3A_55, %get3A_56] : memref<1x1xf32, #tpu.memory_space<smem>>
      %add3A_58 = arith.addf %get3A_57, %reduce_sum3A_37 : f32
      %swap3A_59 = arith.constant 0 : index
      %swap3A_60 = arith.constant 0 : index
      %swap3A_61 = memref.load %arg5[%swap3A_59, %swap3A_60] : memref<1x1xf32, #tpu.memory_space<smem>>
      memref.store %add3A_58, %arg5[%swap3A_59, %swap3A_60] : memref<1x1xf32, #tpu.memory_space<smem>>
      %get3A_62 = arith.constant 0 : index
      %get3A_63 = arith.constant 0 : index
      %get3A_64 = vector.load %arg6[%get3A_62, %get3A_63] : memref<256x1xf32, #tpu.memory_space<vmem>>, vector<256x1xf32>
      %add3A_65 = arith.addf %get3A_64, %broadcast_in_dim3A_40 : vector<256x1xf32>
      %swap3A_66 = arith.constant 0 : index
      %swap3A_67 = arith.constant 0 : index
      %swap3A_68 = vector.load %arg6[%swap3A_66, %swap3A_67] : memref<256x1xf32, #tpu.memory_space<vmem>>, vector<256x1xf32>
      tpu.vector_store %arg6[%swap3A_66, %swap3A_67], %add3A_65 {strides = array<i32>} : memref<256x1xf32, #tpu.memory_space<vmem>>, vector<256x1xf32>,
    } else {
    }
    return
  }
  func.func @transform_0(%arg0: i32) -> (i32, i32, i32) {
    %c0_i32 = arith.constant 0 : i32
    %c0_i32_0 = arith.constant 0 : i32
    %c0_i32_1 = arith.constant 0 : i32
    return %arg0, %c0_i32, %c0_i32_0 : i32, i32, i32
  }
  func.func @transform_1(%arg0: i32) -> (i32, i32) {
    %c0_i32 = arith.constant 0 : i32
    %c0_i32_0 = arith.constant 0 : i32
    %c0_i32_1 = arith.constant 0 : i32
    return %c0_i32, %c0_i32_0 : i32, i32
  }
  func.func @transform_2(%arg0: i32) -> (i32, i32, i32) {
    %c0_i32 = arith.constant 0 : i32
    %c0_i32_0 = arith.constant 0 : i32
    %c0_i32_1 = arith.constant 0 : i32
    return %arg0, %c0_i32, %c0_i32_0 : i32, i32, i32
  }
  func.func @transform_3(%arg0: i32) -> (i32, i32) {
    %c0_i32 = arith.constant 0 : i32
    %c0_i32_0 = arith.constant 0 : i32
    %c0_i32_1 = arith.constant 0 : i32
    return %c0_i32, %c0_i32_0 : i32, i32
  }
  func.func @transform_4(%arg0: i32) -> (i32, i32) {
    %c0_i32 = arith.constant 0 : i32
    %c0_i32_0 = arith.constant 0 : i32
    %c0_i32_1 = arith.constant 0 : i32
    return %c0_i32, %c0_i32_0 : i32, i32
  }
  func.func @transform_5(%arg0: i32) -> (i32, i32) {
    %c0_i32 = arith.constant 0 : i32
    %c0_i32_0 = arith.constant 0 : i32
    %c0_i32_1 = arith.constant 0 : i32
    return %c0_i32, %c0_i32_0 : i32, i32
  }
}

module attributes {stable_mosaic.version = 14 : i64} {
  func.func @_final_body(%arg0: i32, %arg1: memref<32x1024xf32, #tpu.memory_space<vmem>>, %arg2: memref<1024x256xf32, #tpu.memory_space<vmem>>, %arg3: memref<256x1xf32, #tpu.memory_space<vmem>>, %arg4: memref<1x1xf32, #tpu.memory_space<smem>>, %arg5: memref<1x1xf32, #tpu.memory_space<smem>>, %arg6: memref<1x1xf32, #tpu.memory_space<smem>>, %arg7: memref<1x1xf32, #tpu.memory_space<smem>>, %arg8: memref<1x1xf32, #tpu.memory_space<smem>>) attributes {dimension_semantics = [#tpu.dimension_semantics<arbitrary>], iteration_bounds = array<i64: 1>, scalar_prefetch = 0 : i64, scratch_operands = 0 : i64, tpu.core_type = #tpu.core_type<tc>, window_params = [{pipeline_mode = #tpu.pipeline_mode<synchronous>, transform_indices = @transform_0, window_bounds = array<i64: 32, 1024>}, {pipeline_mode = #tpu.pipeline_mode<synchronous>, transform_indices = @transform_1, window_bounds = array<i64: 1024, 256>}, {pipeline_mode = #tpu.pipeline_mode<synchronous>, transform_indices = @transform_2, window_bounds = array<i64: 256, 1>}, {transform_indices = @transform_3, window_bounds = array<i64: 1, 1>}, {transform_indices = @transform_4, window_bounds = array<i64: 1, 1>}, {transform_indices = @transform_5, window_bounds = array<i64: 1, 1>}, {transform_indices = @transform_6, window_bounds = array<i64: 1, 1>}, {transform_indices = @transform_7, window_bounds = array<i64: 1, 1>}]} {
    %get3A = arith.constant 0 : index
    %get3A_0 = arith.constant 0 : index
    %get3A_1 = vector.load %arg2[%get3A, %get3A_0] : memref<1024x256xf32, #tpu.memory_space<vmem>>, vector<1024x256xf32>
    %get3A_2 = arith.constant 0 : index
    %get3A_3 = arith.constant 0 : index
    %get3A_4 = vector.load %arg1[%get3A_2, %get3A_3] : memref<32x1024xf32, #tpu.memory_space<vmem>>, vector<32x1024xf32>
    %reduce_sum3A = arith.constant dense<0.000000e+00> : vector<1024xf32>
    %reduce_sum3A_5 = vector.multi_reduction <add>, %get3A_4, %reduce_sum3A [0] : vector<32x1024xf32> to vector<1024xf32>
    %broadcast_in_dim3A = vector.shape_cast %reduce_sum3A_5 : vector<1024xf32> to vector<1x1024xf32>
    %div3A = arith.constant 8.192000e+03 : f32
    %div3A_6 = vector.broadcast %div3A : f32 to vector<1x1024xf32>
    %div3A_7 = arith.divf %broadcast_in_dim3A, %div3A_6 : vector<1x1024xf32>
    %add3A = arith.constant 1.000000e-10 : f32
    %add3A_8 = vector.broadcast %add3A : f32 to vector<1x1024xf32>
    %add3A_9 = arith.addf %div3A_7, %add3A_8 : vector<1x1024xf32>
    %log3A = math.log %add3A_9 : vector<1x1024xf32>
    %mul3A = arith.mulf %div3A_7, %log3A : vector<1x1024xf32>
    %reduce_sum3A_10 = vector.shape_cast %mul3A : vector<1x1024xf32> to vector<1x1x1024xf32>
    %reduce_sum3A_11 = arith.constant dense<0.000000e+00> : vector<1xf32>
    %reduce_sum3A_12 = vector.multi_reduction <add>, %reduce_sum3A_10, %reduce_sum3A_11 [1, 2] : vector<1x1x1024xf32> to vector<1xf32>
    %reduce_sum3A_13 = vector.shape_cast %reduce_sum3A_12 : vector<1xf32> to vector<1x1x1xf32>
    %reduce_sum3A_14 = vector.extract %reduce_sum3A_13[0, 0, 0] : f32 from vector<1x1x1xf32>
    %neg3A = arith.constant 0.000000e+00 : f32
    %neg3A_15 = arith.subf %neg3A, %reduce_sum3A_14 : f32
    %exp3A = math.exp %neg3A_15 : f32
    %swap3A = arith.constant 0 : index
    %swap3A_16 = arith.constant 0 : index
    %swap3A_17 = memref.load %arg7[%swap3A, %swap3A_16] : memref<1x1xf32, #tpu.memory_space<smem>>
    memref.store %exp3A, %arg7[%swap3A, %swap3A_16] : memref<1x1xf32, #tpu.memory_space<smem>>
    %get3A_18 = arith.constant 0 : index
    %get3A_19 = arith.constant 0 : index
    %get3A_20 = memref.load %arg5[%get3A_18, %get3A_19] : memref<1x1xf32, #tpu.memory_space<smem>>
    %div3A_21 = arith.constant 0x4A000000 : f32
    %div3A_22 = arith.divf %get3A_20, %div3A_21 : f32
    %mul3A_23 = arith.constant 2.500000e-01 : f32
    %mul3A_24 = arith.mulf %mul3A_23, %div3A_22 : f32
    %add3A_25 = arith.addf %mul3A_24, %div3A_22 : f32
    %swap3A_26 = arith.constant 0 : index
    %swap3A_27 = arith.constant 0 : index
    %swap3A_28 = memref.load %arg6[%swap3A_26, %swap3A_27] : memref<1x1xf32, #tpu.memory_space<smem>>
    memref.store %add3A_25, %arg6[%swap3A_26, %swap3A_27] : memref<1x1xf32, #tpu.memory_space<smem>>
    %mul3A_29 = arith.mulf %get3A_1, %get3A_1 : vector<1024x256xf32>
    %reduce_sum3A_30 = vector.shape_cast %mul3A_29 : vector<1024x256xf32> to vector<1x1024x256xf32>
    %reduce_sum3A_31 = arith.constant dense<0.000000e+00> : vector<1xf32>
    %reduce_sum3A_32 = vector.multi_reduction <add>, %reduce_sum3A_30, %reduce_sum3A_31 [1, 2] : vector<1x1024x256xf32> to vector<1xf32>
    %reduce_sum3A_33 = vector.shape_cast %reduce_sum3A_32 : vector<1xf32> to vector<1x1x1xf32>
    %reduce_sum3A_34 = vector.extract %reduce_sum3A_33[0, 0, 0] : f32 from vector<1x1x1xf32>
    %add3A_35 = arith.addf %get3A_1, %get3A_1 : vector<1024x256xf32>
    %reduce_sum3A_36 = arith.constant dense<0.000000e+00> : vector<256xf32>
    %reduce_sum3A_37 = vector.multi_reduction <add>, %add3A_35, %reduce_sum3A_36 [0] : vector<1024x256xf32> to vector<256xf32>
    %broadcast_in_dim3A_38 = vector.shape_cast %reduce_sum3A_37 : vector<256xf32> to vector<1x256xf32>
    %get3A_39 = arith.constant 0 : index
    %get3A_40 = arith.constant 0 : index
    %get3A_41 = vector.load %arg3[%get3A_39, %get3A_40] : memref<256x1xf32, #tpu.memory_space<vmem>>, vector<256x1xf32>
    %dot_general3A = arith.constant dense<0.000000e+00> : vector<1x1xf32>
    %dot_general3A_42 = tpu.matmul %broadcast_in_dim3A_38, %get3A_41, %dot_general3A {dimension_numbers = #tpu.dot_dimension_numbers<[1], [0], [0], [1], [0, 0, 1, 1], [], []>, transpose_lhs_hint = false} : vector<1x256xf32>, vector<256x1xf32>, vector<1x1xf32> -> vector<1x1xf32>
    %get3A_43 = arith.constant 0 : index
    %get3A_44 = arith.constant 0 : index
    %get3A_45 = memref.load %arg4[%get3A_43, %get3A_44] : memref<1x1xf32, #tpu.memory_space<smem>>
    %mul3A_46 = arith.constant 8.192000e+03 : f32
    %mul3A_47 = arith.mulf %mul3A_46, %reduce_sum3A_34 : f32
    %add3A_48 = arith.addf %get3A_45, %mul3A_47 : f32
    %mul3A_49 = arith.constant 1.024000e+03 : f32
    %mul3A_50 = arith.mulf %mul3A_49, %add3A_48 : f32
    %squeeze3A = vector.extract %dot_general3A_42[0, 0] : f32 from vector<1x1xf32>
    %sub3A = arith.subf %mul3A_50, %squeeze3A : f32
    %div3A_51 = arith.constant 0x4B000000 : f32
    %div3A_52 = arith.divf %sub3A, %div3A_51 : f32
    %swap3A_53 = arith.constant 0 : index
    %swap3A_54 = arith.constant 0 : index
    %swap3A_55 = memref.load %arg8[%swap3A_53, %swap3A_54] : memref<1x1xf32, #tpu.memory_space<smem>>
    memref.store %div3A_52, %arg8[%swap3A_53, %swap3A_54] : memref<1x1xf32, #tpu.memory_space<smem>>
    return
  }
  func.func @transform_0(%arg0: i32) -> (i32, i32) {
    %c0_i32 = arith.constant 0 : i32
    %c0_i32_0 = arith.constant 0 : i32
    %c0_i32_1 = arith.constant 0 : i32
    return %c0_i32, %c0_i32_0 : i32, i32
  }
  func.func @transform_1(%arg0: i32) -> (i32, i32) {
    %c0_i32 = arith.constant 0 : i32
    %c0_i32_0 = arith.constant 0 : i32
    %c0_i32_1 = arith.constant 0 : i32
    return %c0_i32, %c0_i32_0 : i32, i32
  }
  func.func @transform_2(%arg0: i32) -> (i32, i32) {
    %c0_i32 = arith.constant 0 : i32
    %c0_i32_0 = arith.constant 0 : i32
    %c0_i32_1 = arith.constant 0 : i32
    return %c0_i32, %c0_i32_0 : i32, i32
  }
  func.func @transform_3(%arg0: i32) -> (i32, i32) {
    %c0_i32 = arith.constant 0 : i32
    %c0_i32_0 = arith.constant 0 : i32
    %c0_i32_1 = arith.constant 0 : i32
    return %c0_i32, %c0_i32_0 : i32, i32
  }
  func.func @transform_4(%arg0: i32) -> (i32, i32) {
    %c0_i32 = arith.constant 0 : i32
    %c0_i32_0 = arith.constant 0 : i32
    %c0_i32_1 = arith.constant 0 : i32
    return %c0_i32, %c0_i32_0 : i32, i32
  }
  func.func @transform_5(%arg0: i32) -> (i32, i32) {
    %c0_i32 = arith.constant 0 : i32
    %c0_i32_0 = arith.constant 0 : i32
    %c0_i32_1 = arith.constant 0 : i32
    return %c0_i32, %c0_i32_0 : i32, i32
  }
  func.func @transform_6(%arg0: i32) -> (i32, i32) {
    %c0_i32 = arith.constant 0 : i32
    %c0_i32_0 = arith.constant 0 : i32
    %c0_i32_1 = arith.constant 0 : i32
    return %c0_i32, %c0_i32_0 : i32, i32
  }
  func.func @transform_7(%arg0: i32) -> (i32, i32) {
    %c0_i32 = arith.constant 0 : i32
    %c0_i32_0 = arith.constant 0 : i32
    %c0_i32_1 = arith.constant 0 : i32
    return %c0_i32, %c0_i32_0 : i32, i32
  }
}

</mosaic_0001>

<sc_bundles>
// kernel: kernel.5.cloned.1.call-start
scs
__scs_entry_jumppad:
0x0: {  	(pc) =	sbr.rel $0x88, $3  }
0x1: {  	(tag) =	ssettag $0x0;
	lr =	simm.s32 $0x1  }
0x2: {  	[smem:$0x3F9F] =	sst lr;
	_ =	strace $0xD0000000  }
0x3: {  	_ = 	snop  }
0x4: {  	_ = 	snop  }
0x5: {  	_ = 	snop  }
0x6: {  	_ = 	snop  }
0x7: {  	_ = 	snop  }
__scs_overlays_trampoline_lowered:
0x8: {  	[smem:$0x3FAE] =	sst s0  }
0x9: {  	[smem:$0x3FAF] =	sst s1  }
0xa: {  	[smem:$0x3FB0] =	sst s2  }
0xb: {  	[smem:$0x3FB1] =	sst s3  }
0xc: {  	[smem:$0x3FB2] =	sst s4  }
0xd: {  	[smem:$0x3FB3] =	sst s5  }
0xe: {  	[smem:$0x3FB4] =	sst s6  }
0xf: {  	[smem:$0x3FB5] =	sst s7  }
0x10: {  	[smem:$0x3FB6] =	sst s8  }
0x11: {  	[smem:$0x3FB7] =	sst s9;
	s0 =	simm.s32 @!p0 $0x0  }
0x12: {  	s1 =	sld [smem:$0x3F9D];
	s0 =	simm.s32 @p0 $0x1  }
0x13: {  	[smem:$0x3FB8] =	sst s0;
	s0 =	simm.s32 @!p1 $0x0  }
0x14: {  	s2 =	sld [smem:$0x3F9C];
	s0 =	simm.s32 @p1 $0x1  }
0x15: {  	[smem:$0x3FB9] =	sst s0;
	s0 =	simm.s32 @!p2 $0x0  }
0x16: {  	s3 =	sld [smem:$0x3FDB];
	s0 =	simm.s32 @p2 $0x1  }
0x17: {  	s4 =	simm.s32 $0x1BF5;
	[smem:$0x3FBB] =	sst s0  }
0x18: {  	s0 =	sld [smem:$0x3F9E];
	_ =	swait.ge [sflag:s4], $0x0  }
0x19: {  	s7 =	sld [smem:$0x3F9F]  }
0x1a: {  	s8 =	sadd.s32 $0xFFFFE003, lr  }
0x1b: {  	s9 =	sadd.s32 $0xFFFFFEF7, lr;
	s5 =	simm.s32 $0xFFFFFFFF;
	p2 =	slt.u32 s8, $0xFFFFF086  }
0x1c: {  	p1 =	slt.u32 s9, $0xF7A;
	s5 =	simm.s32 @!p2 $0x0  }
0x1d: {  	s5 =	simm.s32 @p1 $0x1;
	p0 =	seq.s32 s7, s2  }
0x1e: {  	s7 =	smul.u32 @!p0 $0xF7A, s2;
	p2 =	seq.s32 @!p0 s5, $0x0  }
0x1f: {  	s9 =	smul.u32 $0xF7A, s1;
	s8 =	simm.s32 @!p0 $0x1BF5;
	p2 =	por !p2, p0  }
0x20: {  	[sflag:s8] =	ssyncset.s32 @!p0 $0xFFFFF086;
	s6 =	sadd.s32 @!p0 s3, s7;
	s7 =	simm.s32 @!p0 $0x108  }
0x21: {  	s3 =	sadd.s32 s3, s9;
	s6 =	sadd.s32 @!p0 $0x88, s6;
	s7 =	simm.s32 @p2 $0x1082  }
0x22: {  	[simem:s7], [sflag:s8] =	dma.local @!p0 [hbm:s6], $0xF7A  }
0x23: {  	s9 =	sor.u32 $0xD0000000, s2;
	s6 =	simm.s32 $0x108;
	_ =	swait.ge @!p0 [sflag:s8], $0x0  }
0x24: {  	s3 =	sadd.s32 $0x88, s3;
	s6 =	simm.s32 @!p1 $0x1082;
	[sflag:s4] =	ssyncset.s32 $0xFFFFF086  }
0x25: {  	[simem:s6], [sflag:s4] =	dma.local [hbm:s3], $0xF7A  }
0x26: {  	[smem:$0x3F9F] =	sst s1;
	(tag) =	ssettag s2;
	_ =	strace s9  }
0x27: {  	s1 =	sld [smem:$0x3FAF]  }
0x28: {  	s2 =	sld [smem:$0x3FB0]  }
0x29: {  	s4 =	sld [smem:$0x3FB2]  }
0x2a: {  	p0 =	seq.s32 s5, $0x0;
	s5 =	sld [smem:$0x3FB3]  }
0x2b: {  	s6 =	sld [smem:$0x3FB4]  }
0x2c: {  	s7 =	sld [smem:$0x3FB5]  }
0x2d: {  	s3 =	simm.s32 $0x108;
	s8 =	sld [smem:$0x3FB6]  }
0x2e: {  	s3 =	simm.s32 @!p0 $0x1082;
	s9 =	sld [smem:$0x3FB7]  }
0x2f: {  	lr =	sadd.s32 s0, s3;
	s0 =	sld [smem:$0x3FAE]  }
0x30: {  	s3 =	sld [smem:$0x3FB1]  }
0x31: {  	[smem:$0x3FBA] =	sst s10  }
0x32: {  	s10 =	sld [smem:$0x3FB8];
	_ =	sdelay $0x3  }
0x33: {  	p0 =	seq.s32 s10, $0x1;
	s10 =	sld [smem:$0x3FBA];
	_ =	sdelay $0x3  }
0x34: {  	[smem:$0x3FBA] =	sst s10  }
0x35: {  	s10 =	sld [smem:$0x3FB9];
	_ =	sdelay $0x3  }
0x36: {  	p1 =	seq.s32 s10, $0x1;
	s10 =	sld [smem:$0x3FBA];
	_ =	sdelay $0x3  }
0x37: {  	[smem:$0x3FBA] =	sst s10  }
0x38: {  	s10 =	sld [smem:$0x3FBB]  }
0x39: {  	_ = 	snop;
	(pc) =	sbr.ind lr, $3  }
0x3a: {  	_ = 	snop  }
0x3b: {  	_ = 	snop  }
0x3c: {  	p2 =	seq.s32 s10, $0x1;
	s10 =	sld [smem:$0x3FBA]  }
0x3d: {  	_ =	shalt  }
0x3e: {  	_ =	shalt  }
0x3f: {  	_ =	shalt  }
0x40: {  	_ =	shalt  }
0x41: {  	_ =	shalt  }
0x42: {  	_ =	shalt  }
0x43: {  	_ =	shalt  }
0x44: {  	_ =	shalt  }
0x45: {  	_ =	shalt  }
0x46: {  	_ =	shalt  }
0x47: {  	_ =	shalt  }
0x48: {  	_ =	shalt  }
0x49: {  	_ =	shalt  }
0x4a: {  	_ =	shalt  }
0x4b: {  	_ =	shalt  }
0x4c: {  	_ =	shalt  }
0x4d: {  	_ =	shalt  }
0x4e: {  	_ =	shalt  }
0x4f: {  	_ =	shalt  }
0x50: {  	_ =	shalt  }
0x51: {  	_ =	shalt  }
0x52: {  	_ =	shalt  }
0x53: {  	_ =	shalt  }
0x54: {  	_ =	shalt  }
0x55: {  	_ =	shalt  }
0x56: {  	_ =	shalt  }
0x57: {  	_ =	shalt  }
0x58: {  	_ =	shalt  }
0x59: {  	_ =	shalt  }
0x5a: {  	_ =	shalt  }
0x5b: {  	_ =	shalt  }
0x5c: {  	_ =	shalt  }
0x5d: {  	_ =	shalt  }
0x5e: {  	_ =	shalt  }
0x5f: {  	_ =	shalt  }
0x60: {  	_ =	shalt  }
0x61: {  	_ =	shalt  }
0x62: {  	_ =	shalt  }
0x63: {  	_ =	shalt  }
0x64: {  	_ =	shalt  }
0x65: {  	_ =	shalt  }
0x66: {  	_ =	shalt  }
0x67: {  	_ =	shalt  }
0x68: {  	_ =	shalt  }
0x69: {  	_ =	shalt  }
0x6a: {  	_ =	shalt  }
0x6b: {  	_ =	shalt  }
0x6c: {  	_ =	shalt  }
0x6d: {  	_ =	shalt  }
0x6e: {  	_ =	shalt  }
0x6f: {  	_ =	shalt  }
0x70: {  	_ =	shalt  }
0x71: {  	_ =	shalt  }
0x72: {  	_ =	shalt  }
0x73: {  	_ =	shalt  }
0x74: {  	_ =	shalt  }
0x75: {  	_ =	shalt  }
0x76: {  	_ =	shalt  }
0x77: {  	_ =	shalt  }
0x78: {  	_ =	shalt  }
0x79: {  	_ =	shalt  }
0x7a: {  	_ =	shalt  }
0x7b: {  	_ =	shalt  }
0x7c: {  	_ =	shalt  }
0x7d: {  	_ =	shalt  }
0x7e: {  	_ =	shalt  }
0x7f: {  	_ =	shalt  }
0x80: {  	_ =	shalt  }
0x81: {  	_ =	shalt  }
0x82: {  	_ =	shalt  }
0x83: {  	_ =	shalt  }
0x84: {  	_ =	shalt  }
0x85: {  	_ =	shalt  }
0x86: {  	_ =	shalt  }
0x87: {  	_ =	shalt  }
.Lfunc_end0:
.L_simem_size_0:
called_computation_lowered:
.L_overlay_start_0:
0x88: {  	s2 =	sld [smem:$0x3FD9]  }
0x89: {  	s3 =	sld [smem:$0x3FFE];
	_ =	sdelay $0x1  }
0x8a: {  	s1 =	srdreg.scid  }
0x8b: {  	s0 =	sand.u32 $0x1, s1  }
0x8c: {  	s14 =	sshll.u32 s0, $0xA;
	s2 =	sadd.s32 s3, s2  }
0x8d: {  	s2 =	sadd.s32 s2, s14  }
0x8e: {  	[smem:$0x3FC6] =	sst s2  }
0x8f: {  	_ = 	snop  }
0x90: {  	s2 =	sld [smem:$0x3FD0];
	_ =	sdelay $0x2  }
0x91: {  	s15 =	simm.s32 $0xA;
	s4 =	simm.s32 $0x10  }
0x92: {  	[smem:s4], [sflag:s15] =	dma.local [hbm:s2], $0x1  }
0x93: {  	_ =	swait.eq [sflag:s15], $0x1  }
0x94: {  	[sflag:s15] =	ssyncset.done $0x0  }
0x95: {  	s16 =	sld [smem:$0x10];
	[sflag:s15] =	ssyncadd.s32 $0xFFFFFFFF  }
0x96: {  	s17 =	sld [smem:$0x14];
	(tm) =	ssettm $0x1  }
0x97: {  	s18 =	sld [smem:$0x3FFB];
	_ =	sdelay $0x3  }
0x98: {  	_ =	strace s18  }
0x99: {  	s4 =	sld [smem:$0x3FFC];
	_ =	sdelay $0x3  }
0x9a: {  	_ =	strace s4  }
0x9b: {  	s4 =	sld [smem:$0x3FFD];
	_ =	sdelay $0x3  }
0x9c: {  	_ =	strace s4  }
0x9d: {  	_ =	strace $0x8FFFFFFF  }
0x9e: {  	s19 =	sld [smem:$0x3FDB];
	_ =	sdelay $0x1  }
0x9f: {  	s5 =	simm.s32 $_scs_section_size  }
0xa0: {  	s6 =	simm.s32 $_size__tile_overlayer_lowered;
	s7 =	simm.s32 $_tile_overlayer_lowered  }
0xa1: {  	s22 =	simm.s32 $0x1BFF;
	s21 =	sshll.u32 s7, $0x1;
	s4 =	sadd.s32 s5, s19  }
0xa2: {  	s8 =	simm.s32 $0x0;
	s20 =	sshll.u32 s6, $0x1;
	s6 =	sadd.s32 s21, s4  }
0xa3: {  	[timem:s8], [sflag:s22] =	dma.local [hbm:s6], s20  }
0xa4: {  	_ =	swait.ge [sflag:s22], s20  }
0xa5: {  	s5 =	ssub.s32 $0x0, s20;
	[sflag:s22] =	ssyncset.done $0x0  }
0xa6: {  	[sflag:s22] =	ssyncadd.s32 s5;
	_ =	sdelay $0x1  }
0xa7: {  	s23 =	simm.s32 $0x1B8B  }
0xa8: {  	_ =	swait.ge [sflag:s23], $0x1  }
0xa9: {  	[sflag:s23] =	ssyncset.done $0x0  }
0xaa: {  	s25 =	simm.s32 $0x1B8E;
	s24 =	sld [smem:$0x3FFE];
	[sflag:s23] =	ssyncadd.s32 $0xFFFFFFFF  }
0xab: {  	s26 =	simm.s32 $execute0_lowered;
	[smem:$0x3FD2] =	sst s25  }
0xac: {  	s6 =	sshll.u32 s26, $0x1;
	_ =	strace $0x80000046;
	[dreg:$0x1] =	wrdreg $0xFFFFFFFF  }
0xad: {  	s28 =	simm.s32 $_size_execute0_lowered;
	s4 =	sadd.s32 s4, s6;
	[dreg:$0x0] =	wrdreg $0x0  }
0xae: {  	s6 =	sshll.u32 s28, $0x1;
	[dreg:$0x2] =	wrdreg s4  }
0xaf: {  	[dreg:$0x3] =	wrdreg s6  }
0xb0: {  	[dreg:$0x4] =	wrdreg $0xC0  }
0xb1: {  	_ =	task [dreg:s8], $0x5FFFF  }
0xb2: {  	[dreg:$0x1] =	wrdreg $0xFFFFFFFF  }
0xb3: {  	[dreg:$0x0] =	wrdreg $0x60  }
0xb4: {  	[dreg:$0x2] =	wrdreg s24  }
0xb5: {  	[dreg:$0x3] =	wrdreg s17  }
0xb6: {  	[dreg:$0x4] =	wrdreg s16  }
0xb7: {  	[dreg:$0x5] =	wrdreg $0x9  }
0xb8: {  	_ =	task.clear_ibuf [dreg:s8], $0x6FFFF;
	_ =	strace $0x90000046  }
0xb9: {  	s29 =	simm.s32 $0x9;
	_ =	strace $0x80000048  }
0xba: {  	_ =	swait.ge [sflag:s29], $0x1  }
0xbb: {  	[sflag:s29] =	ssyncadd.s32 $0xFFFFFFFF  }
0xbc: {  	_ =	strace $0x90000048  }
0xbd: {  	_ =	sfence  }
0xbe: {  	s30 =	sld [smem:$0x0];
	_ =	sdelay $0x2  }
0xbf: {  	s31 =	sshll.u32 s1, $0xD;
	s1 =	sshrl.u32 s1, $0x2  }
0xc0: {  	s3 =	sand.u32 $0x4000, s31;
	s1 =	sadd.s32 s1, s30  }
0xc1: {  	s0 =	sor.u32 s3, s0;
	s1 =	sshll.u32 s1, $0x11  }
0xc2: {  	s0 =	sor.u32 s1, s0  }
0xc3: {  	s0 =	sadd.s32 $0x8F2B, s0  }
0xc4: {  	[sflag:s0] =	ssyncadd.remote.s32 $0x1  }
0xc5: {  	_ =	sfence.sel $0xFFFF  }
0xc6: {  	[dreg:$0x0] =	wrdreg $0xFFFFFFFF;
	(pc) =	sbr.abs _section_cstart, $3  }
0xc7: {  	[dreg:$0x1] =	wrdreg $0xFFFFFFFF  }
0xc8: {  	_ =	task.clear_ibuf [dreg:s8], $0x2FFFF;
	_ =	strace $0x9FFFFFFF  }
0xc9: {  	(tm) =	ssettm $0x7FFFFFFF  }
tec
execute0_lowered:
.L_overlay_start_1:
0x0: {  	(tag) =	ssettag $0x1  }
0x1: {  	s4 =	rddreg [dreg:$0x0]  }
0x2: {  	s1 =	rddreg [dreg:$0x1]  }
0x3: {  	s5 =	rddreg [dreg:$0x2]  }
0x4: {  	s0 =	rddreg [dreg:$0x3];
	s3 =	simm.s32 $0x0;
	s6 =	srdreg.scid  }
0x5: {  	s2 =	stileid.u32;
	s16 =	simm.s32 $0x1;
	s17 =	simm.s32 $0x2000  }
0x6: {  	s18 =	simm.s32 $0xA000;
	s19 =	simm.s32 $0x4000;
	s20 =	simm.s32 $0x0  }
0x7: {  	[smem:$0x7FF] =	sst s3;
	s6 =	sand.u32 $0x1, s6;
	s7 =	sshll.u32 s2, $0x1  }
0x8: {  	_ =	strace $0x80000047;
	s7 =	sor.u32 s6, s7;
	s6 =	ssub.s32 $0x2, s6  }
0x9: {  	s8 =	sshll.u32 s7, $0xA;
	s7 =	sshll.u32 s7, $0x7;
	s31 =	sshrl.u32 s6, $0x1  }
0xa: {  	s9 =	sadd.s32 s8, s4;
	s7 =	sadd.s32 s7, s4;
	s15 =	ssub.s32 s6, s31  }
0xb: {  	s5 =	sadd.s32 s5, s8;
	s6 =	sshrl.u32 s8, $0x2;
	s4 =	sadd.s32 $0xE00, s9  }
0xc: {  	s7 =	sadd.s32 $0x9200, s7;
	s8 =	sadd.s32 $0x8000, s5;
	s9 =	sadd.s32 $0x10000, s5  }
0xd: {  	v1 =	vlaneseq.u32;
	s10 =	sadd.s32 $0x18000, s5;
	s11 =	sadd.s32 $0x20000, s5;
	s12 =	sadd.s32 $0x28000, s5  }
0xe: {  	v0 =	vimm.f32 $0.0e+00;
	v2 =	vimm.f32 $1.000000000e+00;
	v1 =	vmul.u32 $0x400, v1;
	s13 =	sadd.s32 $0x30000, s5;
	s14 =	sadd.s32 $0x38000, s5;
	s15 =	smax.u32 s15, $0x1  }
.LBB2_1:
0xf: {  	[tilespmem:s3], [sflag:$0x1] =	stream.linear.gather [hbm4b:s4+s3], $0x2000, $0x38;
	[tilespmem:$0xA400] =	vst v63  }
0x10: {  	_ =	swait.ge [sflag:s16], $0x2000  }
0x11: {  	[sflag:s16] =	ssyncset.done $0x0  }
0x12: {  	[sflag:s16] =	ssyncadd.s32 $0xFFFFE000  }
0x13: {  	[tilespmem:s17], [sflag:$0x1] =	stream.linear.gather [hbm4b:s1+s3], $0x2000, $0x38;
	[tilespmem:$0xA400] =	vst v63  }
0x14: {  	_ =	swait.ge [sflag:s16], $0x2000  }
0x15: {  	[sflag:s16] =	ssyncset.done $0x0  }
0x16: {  	s21 =	simm.s32 $0x40;
	s22 =	simm.s32 $0x0;
	[sflag:s16] =	ssyncadd.s32 $0xFFFFE000  }
.LBB2_2:
0x17: {  	p0 =	sne.s32 s21, $0xFFC0;
	[tilespmem:s22+$0x6000] =	vst v0;
	s22 =	smov.u32 s21;
	s21 =	sadd.s32 $0x40, s21  }
.Ltmp0:
0x18: {  	(pc) =	sbr.rel @p0 .LBB2_2-.Ltmp0, $2  }
0x19: {  	_ =	sdelay $0x2  }
0x1a: {  	s22 =	sshra.s32 s22, $0x2  }
0x1b: {  	[tilespmem:s22+$0x6000] =	vst v0  }
0x1c: {  	v3 =	vld [tilespmem:s6+$0x2000];
	_ =	sdelay $0x4  }
0x1d: {  	v3 =	vadd.s32 v1, v3;
	_ =	sdelay $0x3  }
0x1e: {  	s21 =	simm.s32 $0x6000  }
0x1f: {  	[tilespmem:v3+s21+$0x0] =	vst.idx.add.f32.msk $0xffff, v2  }
0x20: {  	v3 =	vld [tilespmem:s6+$0x2010];
	_ =	sdelay $0x4  }
0x21: {  	v3 =	vadd.s32 v1, v3;
	_ =	sdelay $0x4  }
0x22: {  	[tilespmem:v3+s21+$0x0] =	vst.idx.add.f32.msk $0xffff, v2  }
0x23: {  	v3 =	vld [tilespmem:s6+$0x2020];
	_ =	sdelay $0x4  }
0x24: {  	v3 =	vadd.s32 v1, v3;
	_ =	sdelay $0x4  }
0x25: {  	[tilespmem:v3+s21+$0x0] =	vst.idx.add.f32.msk $0xffff, v2  }
0x26: {  	v3 =	vld [tilespmem:s6+$0x2030];
	_ =	sdelay $0x4  }
0x27: {  	v3 =	vadd.s32 v1, v3;
	_ =	sdelay $0x4  }
0x28: {  	[tilespmem:v3+s21+$0x0] =	vst.idx.add.f32.msk $0xffff, v2  }
0x29: {  	v3 =	vld [tilespmem:s6+$0x2040];
	_ =	sdelay $0x4  }
0x2a: {  	v3 =	vadd.s32 v1, v3;
	_ =	sdelay $0x4  }
0x2b: {  	[tilespmem:v3+s21+$0x0] =	vst.idx.add.f32.msk $0xffff, v2  }
0x2c: {  	v3 =	vld [tilespmem:s6+$0x2050];
	_ =	sdelay $0x4  }
0x2d: {  	v3 =	vadd.s32 v1, v3;
	_ =	sdelay $0x4  }
0x2e: {  	[tilespmem:v3+s21+$0x0] =	vst.idx.add.f32.msk $0xffff, v2  }
0x2f: {  	v3 =	vld [tilespmem:s6+$0x2060];
	_ =	sdelay $0x4  }
0x30: {  	v3 =	vadd.s32 v1, v3;
	_ =	sdelay $0x4  }
0x31: {  	[tilespmem:v3+s21+$0x0] =	vst.idx.add.f32.msk $0xffff, v2  }
0x32: {  	v3 =	vld [tilespmem:s6+$0x2070];
	_ =	sdelay $0x4  }
0x33: {  	v3 =	vadd.s32 v1, v3;
	_ =	sdelay $0x4  }
0x34: {  	[tilespmem:v3+s21+$0x0] =	vst.idx.add.f32.msk $0xffff, v2  }
0x35: {  	v3 =	vld [tilespmem:s6+$0x2080];
	_ =	sdelay $0x4  }
0x36: {  	v3 =	vadd.s32 v1, v3;
	_ =	sdelay $0x4  }
0x37: {  	[tilespmem:v3+s21+$0x0] =	vst.idx.add.f32.msk $0xffff, v2  }
0x38: {  	v3 =	vld [tilespmem:s6+$0x2090];
	_ =	sdelay $0x4  }
0x39: {  	v3 =	vadd.s32 v1, v3;
	_ =	sdelay $0x4  }
0x3a: {  	[tilespmem:v3+s21+$0x0] =	vst.idx.add.f32.msk $0xffff, v2  }
0x3b: {  	v3 =	vld [tilespmem:s6+$0x20A0];
	_ =	sdelay $0x4  }
0x3c: {  	v3 =	vadd.s32 v1, v3;
	_ =	sdelay $0x4  }
0x3d: {  	[tilespmem:v3+s21+$0x0] =	vst.idx.add.f32.msk $0xffff, v2  }
0x3e: {  	v3 =	vld [tilespmem:s6+$0x20B0];
	_ =	sdelay $0x4  }
0x3f: {  	v3 =	vadd.s32 v1, v3;
	_ =	sdelay $0x4  }
0x40: {  	[tilespmem:v3+s21+$0x0] =	vst.idx.add.f32.msk $0xffff, v2  }
0x41: {  	v3 =	vld [tilespmem:s6+$0x20C0];
	_ =	sdelay $0x4  }
0x42: {  	v3 =	vadd.s32 v1, v3;
	_ =	sdelay $0x4  }
0x43: {  	[tilespmem:v3+s21+$0x0] =	vst.idx.add.f32.msk $0xffff, v2  }
0x44: {  	v3 =	vld [tilespmem:s6+$0x20D0];
	_ =	sdelay $0x4  }
0x45: {  	v3 =	vadd.s32 v1, v3;
	_ =	sdelay $0x4  }
0x46: {  	[tilespmem:v3+s21+$0x0] =	vst.idx.add.f32.msk $0xffff, v2  }
0x47: {  	v3 =	vld [tilespmem:s6+$0x20E0];
	_ =	sdelay $0x4  }
0x48: {  	v3 =	vadd.s32 v1, v3;
	_ =	sdelay $0x4  }
0x49: {  	[tilespmem:v3+s21+$0x0] =	vst.idx.add.f32.msk $0xffff, v2  }
0x4a: {  	v3 =	vld [tilespmem:s6+$0x20F0];
	_ =	sdelay $0x4  }
0x4b: {  	v3 =	vadd.s32 v1, v3;
	_ =	sdelay $0x3  }
0x4c: {  	s30 =	simm.s32 $0x0  }
0x4d: {  	s22 =	sand.u32 $0x3F0, s30;
	[tilespmem:v3+s21+$0x0] =	vst.idx.add.f32.msk $0xffff, v2  }
0x4e: {  	v3 =	vld [tilespmem:s22+$0x6400]  }
0x4f: {  	v4 =	vld [tilespmem:s21+$0x0];
	_ =	sdelay $0x1  }
0x50: {  	v5 =	vld [tilespmem:s22+$0x6800];
	_ =	sdelay $0x1  }
0x51: {  	v6 =	vld [tilespmem:s22+$0x6C00]  }
0x52: {  	v3 =	vadd.f32 v3, v4  }
0x53: {  	v4 =	vld [tilespmem:s22+$0x7000]  }
0x54: {  	v3 =	vadd.f32 v5, v3  }
0x55: {  	v5 =	vld [tilespmem:s22+$0x7400]  }
0x56: {  	v3 =	vadd.f32 v6, v3  }
0x57: {  	v60 =	vld [tilespmem:s22+$0x7800]  }
0x58: {  	v3 =	vadd.f32 v4, v3  }
0x59: {  	v4 =	vld [tilespmem:s22+$0x7C00]  }
0x5a: {  	v3 =	vadd.f32 v5, v3  }
0x5b: {  	v5 =	vld [tilespmem:s22+$0x8000]  }
0x5c: {  	v3 =	vadd.f32 v60, v3  }
0x5d: {  	v61 =	vld [tilespmem:s22+$0x8400]  }
0x5e: {  	v3 =	vadd.f32 v4, v3  }
0x5f: {  	v4 =	vld [tilespmem:s22+$0x8800]  }
0x60: {  	v3 =	vadd.f32 v5, v3  }
0x61: {  	v5 =	vld [tilespmem:s22+$0x8C00]  }
0x62: {  	v3 =	vadd.f32 v61, v3  }
0x63: {  	v62 =	vld [tilespmem:s22+$0x9000]  }
0x64: {  	v3 =	vadd.f32 v4, v3  }
0x65: {  	v4 =	vld [tilespmem:s22+$0x9400]  }
0x66: {  	v3 =	vadd.f32 v5, v3  }
0x67: {  	v5 =	vld [tilespmem:s22+$0x9800]  }
0x68: {  	v3 =	vadd.f32 v62, v3  }
0x69: {  	v63 =	vld [tilespmem:s22+$0x9C00]  }
0x6a: {  	v3 =	vadd.f32 v4, v3;
	_ =	sdelay $0x1  }
0x6b: {  	v3 =	vadd.f32 v5, v3;
	_ =	sdelay $0x1  }
0x6c: {  	v3 =	vadd.f32 v63, v3  }
0x6d: {  	s31 =	simm.s32 $0x10;
	s21 =	simm.s32 $0xA000  }
0x6e: {  	s22 =	sand.u32 $0x3F0, s31;
	[tilespmem:s21+$0x0] =	vst v3  }
0x6f: {  	s24 =	simm.s32 $0x20;
	s23 =	simm.s32 $0x6010;
	v3 =	vld [tilespmem:s22+$0x6400]  }
.LBB2_4:
0x70: {  	p0 =	sne.s32 s24, $0x3F0;
	v4 =	vld [tilespmem:s23+$0x0];
	_ =	sdelay $0x1  }
0x71: {  	v5 =	vld [tilespmem:s22+$0x6800];
	_ =	sdelay $0x1  }
0x72: {  	v6 =	vld [tilespmem:s22+$0x6C00]  }
0x73: {  	v3 =	vadd.f32 v3, v4  }
0x74: {  	v4 =	vld [tilespmem:s22+$0x7000]  }
0x75: {  	v3 =	vadd.f32 v5, v3  }
0x76: {  	v5 =	vld [tilespmem:s22+$0x7400]  }
0x77: {  	v3 =	vadd.f32 v6, v3  }
0x78: {  	v6 =	vld [tilespmem:s22+$0x7800]  }
0x79: {  	v3 =	vadd.f32 v4, v3  }
0x7a: {  	v4 =	vld [tilespmem:s22+$0x7C00]  }
0x7b: {  	v3 =	vadd.f32 v5, v3  }
0x7c: {  	v5 =	vld [tilespmem:s22+$0x8000]  }
0x7d: {  	v3 =	vadd.f32 v6, v3  }
0x7e: {  	v6 =	vld [tilespmem:s22+$0x8400]  }
0x7f: {  	v3 =	vadd.f32 v4, v3  }
0x80: {  	v4 =	vld [tilespmem:s22+$0x8800]  }
0x81: {  	v3 =	vadd.f32 v5, v3  }
0x82: {  	v5 =	vld [tilespmem:s22+$0x8C00]  }
0x83: {  	v3 =	vadd.f32 v6, v3  }
0x84: {  	v6 =	vld [tilespmem:s22+$0x9000]  }
0x85: {  	v3 =	vadd.f32 v4, v3  }
0x86: {  	v4 =	vld [tilespmem:s22+$0x9400]  }
0x87: {  	v3 =	vadd.f32 v5, v3  }
0x88: {  	v5 =	vld [tilespmem:s22+$0x9800]  }
0x89: {  	v3 =	vadd.f32 v6, v3  }
0x8a: {  	v6 =	vld [tilespmem:s22+$0x9C00]  }
0x8b: {  	v3 =	vadd.f32 v4, v3;
	_ =	sdelay $0x1  }
0x8c: {  	v3 =	vadd.f32 v5, v3  }
.Ltmp1:
0x8d: {  	(pc) =	sbr.rel @p0 .LBB2_4-.Ltmp1, $4  }
0x8e: {  	v3 =	vadd.f32 v6, v3  }
0x8f: {  	s21 =	sadd.s32 $0x10, s21  }
0x90: {  	s22 =	sand.u32 $0x3F0, s24;
	[tilespmem:s21+$0x0] =	vst v3  }
0x91: {  	s23 =	sadd.s32 $0x10, s23;
	s24 =	sadd.s32 $0x10, s24;
	v3 =	vld [tilespmem:s22+$0x6400]  }
0x92: {  	v4 =	vld [tilespmem:s23+$0x0];
	_ =	sdelay $0x1  }
0x93: {  	v5 =	vld [tilespmem:s22+$0x6800];
	_ =	sdelay $0x1  }
0x94: {  	v6 =	vld [tilespmem:s22+$0x6C00]  }
0x95: {  	v3 =	vadd.f32 v3, v4  }
0x96: {  	v45 =	vld [tilespmem:s22+$0x7000]  }
0x97: {  	v3 =	vadd.f32 v5, v3  }
0x98: {  	v46 =	vld [tilespmem:s22+$0x7400]  }
0x99: {  	v3 =	vadd.f32 v6, v3  }
0x9a: {  	v47 =	vld [tilespmem:s22+$0x7800]  }
0x9b: {  	v3 =	vadd.f32 v45, v3  }
0x9c: {  	v48 =	vld [tilespmem:s22+$0x7C00]  }
0x9d: {  	v3 =	vadd.f32 v46, v3  }
0x9e: {  	v49 =	vld [tilespmem:s22+$0x8000]  }
0x9f: {  	v3 =	vadd.f32 v47, v3  }
0xa0: {  	v50 =	vld [tilespmem:s22+$0x8400]  }
0xa1: {  	v3 =	vadd.f32 v48, v3  }
0xa2: {  	v51 =	vld [tilespmem:s22+$0x8800]  }
0xa3: {  	v3 =	vadd.f32 v49, v3  }
0xa4: {  	v52 =	vld [tilespmem:s22+$0x8C00]  }
0xa5: {  	v3 =	vadd.f32 v50, v3  }
0xa6: {  	v53 =	vld [tilespmem:s22+$0x9000]  }
0xa7: {  	v3 =	vadd.f32 v51, v3  }
0xa8: {  	v54 =	vld [tilespmem:s22+$0x9400]  }
0xa9: {  	v3 =	vadd.f32 v52, v3  }
0xaa: {  	v55 =	vld [tilespmem:s22+$0x9800]  }
0xab: {  	v3 =	vadd.f32 v53, v3  }
0xac: {  	v56 =	vld [tilespmem:s22+$0x9C00]  }
0xad: {  	v3 =	vadd.f32 v54, v3;
	_ =	sdelay $0x1  }
0xae: {  	v3 =	vadd.f32 v55, v3;
	_ =	sdelay $0x1  }
0xaf: {  	v3 =	vadd.f32 v56, v3  }
0xb0: {  	s21 =	sadd.s32 $0x10, s21  }
0xb1: {  	s30 =	simm.s32 $0x0;
	[tilespmem:s21+$0x0] =	vst v3  }
0xb2: {  	[hbm4b:s7+s30] =	stream.linear.scatter [tilespmem:s18], [sflag:$0x1], $0x400, $0x38;
	[tilespmem:$0xA400] =	vst v63  }
0xb3: {  	_ =	swait.ge [sflag:s16], $0x400  }
0xb4: {  	[sflag:s16] =	ssyncset.done $0x0  }
0xb5: {  	s31 =	simm.s32 $0x2000;
	[sflag:s16] =	ssyncadd.s32 $0xFFFFFC00  }
0xb6: {  	v3 =	vld [tilespmem:s31+$0x0];
	_ =	sdelay $0x7  }
0xb7: {  	v57 =	vld.idx.msk [tilespmem:v3+s3+$0x0], $0xffff  }
0xb8: {  	v58 =	vadd.s32 $0x400, v3;
	_ =	sdelay $0x2  }
0xb9: {  	s21 =	simm.s32 $0x4000  }
0xba: {  	[tilespmem:s21+$0x0] =	vst v57  }
0xbb: {  	v4 =	vld.idx.msk [tilespmem:v58+s3+$0x0], $0xffff  }
0xbc: {  	v59 =	vadd.s32 $0x800, v3;
	_ =	sdelay $0x2  }
0xbd: {  	s22 =	sand.u32 $0x3F0, s30  }
0xbe: {  	[tilespmem:s22+$0x4400] =	vst v4  }
0xbf: {  	v4 =	vld.idx.msk [tilespmem:v59+s3+$0x0], $0xffff  }
0xc0: {  	v60 =	vadd.s32 $0xC00, v3;
	_ =	sdelay $0x3  }
0xc1: {  	[tilespmem:s22+$0x4800] =	vst v4  }
0xc2: {  	v4 =	vld.idx.msk [tilespmem:v60+s3+$0x0], $0xffff  }
0xc3: {  	v61 =	vadd.s32 $0x1000, v3;
	_ =	sdelay $0x3  }
0xc4: {  	[tilespmem:s22+$0x4C00] =	vst v4  }
0xc5: {  	v4 =	vld.idx.msk [tilespmem:v61+s3+$0x0], $0xffff  }
0xc6: {  	v62 =	vadd.s32 $0x1400, v3;
	_ =	sdelay $0x3  }
0xc7: {  	[tilespmem:s22+$0x5000] =	vst v4  }
0xc8: {  	v4 =	vld.idx.msk [tilespmem:v62+s3+$0x0], $0xffff  }
0xc9: {  	v63 =	vadd.s32 $0x1800, v3;
	_ =	sdelay $0x3  }
0xca: {  	[tilespmem:s22+$0x5400] =	vst v4  }
0xcb: {  	v4 =	vld.idx.msk [tilespmem:v63+s3+$0x0], $0xffff  }
0xcc: {  	v3 =	vadd.s32 $0x1C00, v3;
	_ =	sdelay $0x3  }
0xcd: {  	[tilespmem:s22+$0x5800] =	vst v4  }
0xce: {  	v3 =	vld.idx.msk [tilespmem:v3+s3+$0x0], $0xffff;
	_ =	sdelay $0x4  }
0xcf: {  	s23 =	simm.s32 $0x10;
	[tilespmem:s22+$0x5C00] =	vst v3;
	s22 =	simm.s32 $0x2010  }
.LBB2_6:
0xd0: {  	v3 =	vld [tilespmem:s22+$0x0];
	p0 =	sne.s32 s23, $0x3F0;
	_ =	sdelay $0x4  }
0xd1: {  	v4 =	vadd.s32 $0x1C00, v3;
	_ =	sdelay $0x2  }
0xd2: {  	v5 =	vld.idx.msk [tilespmem:v3+s3+$0x0], $0xffff;
	_ =	sdelay $0x1  }
0xd3: {  	v6 =	vadd.s32 $0x400, v3;
	_ =	sdelay $0x2  }
0xd4: {  	s21 =	sadd.s32 $0x10, s21  }
0xd5: {  	[tilespmem:s21+$0x0] =	vst v5  }
0xd6: {  	v5 =	vld.idx.msk [tilespmem:v6+s3+$0x0], $0xffff;
	_ =	sdelay $0x1  }
0xd7: {  	v6 =	vadd.s32 $0x800, v3;
	_ =	sdelay $0x2  }
0xd8: {  	s24 =	sand.u32 $0x3F0, s23  }
0xd9: {  	[tilespmem:s24+$0x4400] =	vst v5  }
0xda: {  	v5 =	vld.idx.msk [tilespmem:v6+s3+$0x0], $0xffff;
	_ =	sdelay $0x1  }
0xdb: {  	v6 =	vadd.s32 $0xC00, v3;
	_ =	sdelay $0x3  }
0xdc: {  	[tilespmem:s24+$0x4800] =	vst v5  }
0xdd: {  	v5 =	vld.idx.msk [tilespmem:v6+s3+$0x0], $0xffff;
	_ =	sdelay $0x1  }
0xde: {  	v6 =	vadd.s32 $0x1000, v3;
	_ =	sdelay $0x3  }
0xdf: {  	[tilespmem:s24+$0x4C00] =	vst v5  }
0xe0: {  	v5 =	vld.idx.msk [tilespmem:v6+s3+$0x0], $0xffff;
	_ =	sdelay $0x1  }
0xe1: {  	v6 =	vadd.s32 $0x1400, v3;
	_ =	sdelay $0x3  }
0xe2: {  	[tilespmem:s24+$0x5000] =	vst v5  }
0xe3: {  	v5 =	vld.idx.msk [tilespmem:v6+s3+$0x0], $0xffff;
	_ =	sdelay $0x1  }
0xe4: {  	v3 =	vadd.s32 $0x1800, v3;
	_ =	sdelay $0x3  }
0xe5: {  	[tilespmem:s24+$0x5400] =	vst v5  }
0xe6: {  	v3 =	vld.idx.msk [tilespmem:v3+s3+$0x0], $0xffff;
	_ =	sdelay $0x5  }
0xe7: {  	[tilespmem:s24+$0x5800] =	vst v3  }
0xe8: {  	v3 =	vld.idx.msk [tilespmem:v4+s3+$0x0], $0xffff;
	_ =	sdelay $0x1  }
.Ltmp2:
0xe9: {  	(pc) =	sbr.rel @p0 .LBB2_6-.Ltmp2, $2  }
0xea: {  	_ =	sdelay $0x2  }
0xeb: {  	s22 =	sadd.s32 $0x10, s22;
	s23 =	sadd.s32 $0x10, s23;
	[tilespmem:s24+$0x5C00] =	vst v3  }
0xec: {  	s22 =	simm.s32 $0x0  }
0xed: {  	[hbm4b:s5+s22] =	stream.linear.scatter [tilespmem:s19], [sflag:$0x1], $0x2000, $0x38;
	[tilespmem:$0xA400] =	vst v63  }
0xee: {  	_ =	swait.ge [sflag:s16], $0x2000  }
0xef: {  	[sflag:s16] =	ssyncset.done $0x0  }
0xf0: {  	s21 =	simm.s32 $0x2400;
	[sflag:s16] =	ssyncadd.s32 $0xFFFFE000  }
0xf1: {  	v3 =	vld [tilespmem:s21+$0x0];
	_ =	sdelay $0x7  }
0xf2: {  	v4 =	vld.idx.msk [tilespmem:v3+s3+$0x0], $0xffff  }
0xf3: {  	v5 =	vadd.s32 $0x400, v3;
	_ =	sdelay $0x2  }
0xf4: {  	s21 =	simm.s32 $0x4400  }
0xf5: {  	[tilespmem:s21+$0xFFFFFC00] =	vst v4  }
0xf6: {  	v4 =	vld.idx.msk [tilespmem:v5+s3+$0x0], $0xffff  }
0xf7: {  	v59 =	vadd.s32 $0x800, v3;
	_ =	sdelay $0x3  }
0xf8: {  	[tilespmem:s21+$0x0] =	vst v4  }
0xf9: {  	v4 =	vld.idx.msk [tilespmem:v59+s3+$0x0], $0xffff  }
0xfa: {  	v60 =	vadd.s32 $0xC00, v3;
	_ =	sdelay $0x2  }
0xfb: {  	s22 =	sand.u32 $0x3F0, s22  }
0xfc: {  	[tilespmem:s22+$0x4800] =	vst v4  }
0xfd: {  	v4 =	vld.idx.msk [tilespmem:v60+s3+$0x0], $0xffff  }
0xfe: {  	v61 =	vadd.s32 $0x1000, v3;
	_ =	sdelay $0x3  }
0xff: {  	[tilespmem:s22+$0x4C00] =	vst v4  }
0x100: {  	v4 =	vld.idx.msk [tilespmem:v61+s3+$0x0], $0xffff  }
0x101: {  	v62 =	vadd.s32 $0x1400, v3;
	_ =	sdelay $0x3  }
0x102: {  	[tilespmem:s22+$0x5000] =	vst v4  }
0x103: {  	v4 =	vld.idx.msk [tilespmem:v62+s3+$0x0], $0xffff  }
0x104: {  	v63 =	vadd.s32 $0x1800, v3;
	_ =	sdelay $0x3  }
0x105: {  	[tilespmem:s22+$0x5400] =	vst v4  }
0x106: {  	v4 =	vld.idx.msk [tilespmem:v63+s3+$0x0], $0xffff  }
0x107: {  	v3 =	vadd.s32 $0x1C00, v3;
	_ =	sdelay $0x3  }
0x108: {  	[tilespmem:s22+$0x5800] =	vst v4  }
0x109: {  	v3 =	vld.idx.msk [tilespmem:v3+s3+$0x0], $0xffff;
	_ =	sdelay $0x4  }
0x10a: {  	s23 =	simm.s32 $0x10;
	[tilespmem:s22+$0x5C00] =	vst v3;
	s22 =	simm.s32 $0x2410  }
.LBB2_8:
0x10b: {  	v3 =	vld [tilespmem:s22+$0x0];
	p0 =	sne.s32 s23, $0x3F0;
	_ =	sdelay $0x4  }
0x10c: {  	v4 =	vadd.s32 $0x400, v3;
	v5 =	vadd.s32 $0x1C00, v3;
	_ =	sdelay $0x2  }
0x10d: {  	v6 =	vld.idx.msk [tilespmem:v3+s3+$0x0], $0xffff;
	_ =	sdelay $0x4  }
0x10e: {  	s21 =	sadd.s32 $0x10, s21  }
0x10f: {  	[tilespmem:s21+$0xFFFFFC00] =	vst v6  }
0x110: {  	v4 =	vld.idx.msk [tilespmem:v4+s3+$0x0], $0xffff;
	_ =	sdelay $0x1  }
0x111: {  	v6 =	vadd.s32 $0x800, v3;
	_ =	sdelay $0x3  }
0x112: {  	[tilespmem:s21+$0x0] =	vst v4  }
0x113: {  	v4 =	vld.idx.msk [tilespmem:v6+s3+$0x0], $0xffff;
	_ =	sdelay $0x1  }
0x114: {  	v6 =	vadd.s32 $0xC00, v3;
	_ =	sdelay $0x2  }
0x115: {  	s24 =	sand.u32 $0x3F0, s23  }
0x116: {  	[tilespmem:s24+$0x4800] =	vst v4  }
0x117: {  	v4 =	vld.idx.msk [tilespmem:v6+s3+$0x0], $0xffff;
	_ =	sdelay $0x1  }
0x118: {  	v6 =	vadd.s32 $0x1000, v3;
	_ =	sdelay $0x3  }
0x119: {  	[tilespmem:s24+$0x4C00] =	vst v4  }
0x11a: {  	v4 =	vld.idx.msk [tilespmem:v6+s3+$0x0], $0xffff;
	_ =	sdelay $0x1  }
0x11b: {  	v6 =	vadd.s32 $0x1400, v3;
	_ =	sdelay $0x3  }
0x11c: {  	[tilespmem:s24+$0x5000] =	vst v4  }
0x11d: {  	v4 =	vld.idx.msk [tilespmem:v6+s3+$0x0], $0xffff;
	_ =	sdelay $0x1  }
0x11e: {  	v3 =	vadd.s32 $0x1800, v3;
	_ =	sdelay $0x3  }
0x11f: {  	[tilespmem:s24+$0x5400] =	vst v4  }
0x120: {  	v3 =	vld.idx.msk [tilespmem:v3+s3+$0x0], $0xffff;
	_ =	sdelay $0x5  }
0x121: {  	[tilespmem:s24+$0x5800] =	vst v3  }
0x122: {  	v3 =	vld.idx.msk [tilespmem:v5+s3+$0x0], $0xffff;
	_ =	sdelay $0x1  }
.Ltmp3:
0x123: {  	(pc) =	sbr.rel @p0 .LBB2_8-.Ltmp3, $2  }
0x124: {  	_ =	sdelay $0x2  }
0x125: {  	s22 =	sadd.s32 $0x10, s22;
	s23 =	sadd.s32 $0x10, s23;
	[tilespmem:s24+$0x5C00] =	vst v3  }
0x126: {  	s23 =	simm.s32 $0x0  }
0x127: {  	[hbm4b:s8+s23] =	stream.linear.scatter [tilespmem:s19], [sflag:$0x1], $0x2000, $0x38;
	[tilespmem:$0xA400] =	vst v63  }
0x128: {  	_ =	swait.ge [sflag:s16], $0x2000  }
0x129: {  	[sflag:s16] =	ssyncset.done $0x0  }
0x12a: {  	s21 =	simm.s32 $0x2800;
	[sflag:s16] =	ssyncadd.s32 $0xFFFFE000  }
0x12b: {  	v3 =	vld [tilespmem:s21+$0x0];
	_ =	sdelay $0x7  }
0x12c: {  	v4 =	vld.idx.msk [tilespmem:v3+s3+$0x0], $0xffff  }
0x12d: {  	v5 =	vadd.s32 $0x400, v3;
	_ =	sdelay $0x2  }
0x12e: {  	s22 =	simm.s32 $0x4800  }
0x12f: {  	[tilespmem:s22+$0xFFFFF800] =	vst v4  }
0x130: {  	v4 =	vld.idx.msk [tilespmem:v5+s3+$0x0], $0xffff  }
0x131: {  	v5 =	vadd.s32 $0x800, v3;
	_ =	sdelay $0x2  }
0x132: {  	s24 =	sand.u32 $0x3F0, s23  }
0x133: {  	[tilespmem:s24+$0x4400] =	vst v4  }
0x134: {  	v4 =	vld.idx.msk [tilespmem:v5+s3+$0x0], $0xffff  }
0x135: {  	v5 =	vadd.s32 $0xC00, v3;
	_ =	sdelay $0x3  }
0x136: {  	[tilespmem:s22+$0x0] =	vst v4  }
0x137: {  	v4 =	vld.idx.msk [tilespmem:v5+s3+$0x0], $0xffff  }
0x138: {  	v5 =	vadd.s32 $0x1000, v3;
	_ =	sdelay $0x3  }
0x139: {  	[tilespmem:s24+$0x4C00] =	vst v4  }
0x13a: {  	v4 =	vld.idx.msk [tilespmem:v5+s3+$0x0], $0xffff  }
0x13b: {  	v5 =	vadd.s32 $0x1400, v3;
	_ =	sdelay $0x3  }
0x13c: {  	[tilespmem:s24+$0x5000] =	vst v4  }
0x13d: {  	v4 =	vld.idx.msk [tilespmem:v5+s3+$0x0], $0xffff  }
0x13e: {  	v5 =	vadd.s32 $0x1800, v3;
	_ =	sdelay $0x3  }
0x13f: {  	[tilespmem:s24+$0x5400] =	vst v4  }
0x140: {  	v4 =	vld.idx.msk [tilespmem:v5+s3+$0x0], $0xffff  }
0x141: {  	v3 =	vadd.s32 $0x1C00, v3;
	_ =	sdelay $0x3  }
0x142: {  	[tilespmem:s24+$0x5800] =	vst v4  }
0x143: {  	s23 =	simm.s32 $0x10;
	v3 =	vld.idx.msk [tilespmem:v3+s3+$0x0], $0xffff  }
.LBB2_10:
0x144: {  	_ =	sdelay $0x3  }
0x145: {  	p0 =	sne.s32 s23, $0x3F0;
	s22 =	sadd.s32 $0x10, s22;
	s21 =	sadd.s32 $0x10, s21;
	[tilespmem:s24+$0x5C00] =	vst v3  }
0x146: {  	s24 =	smov.u32 s23;
	s23 =	sadd.s32 $0x10, s23;
	v3 =	vld [tilespmem:s21+$0x0];
	_ =	sdelay $0x7  }
0x147: {  	v4 =	vld.idx.msk [tilespmem:v3+s3+$0x0], $0xffff;
	_ =	sdelay $0x1  }
0x148: {  	v5 =	vadd.s32 $0x400, v3;
	_ =	sdelay $0x3  }
0x149: {  	[tilespmem:s22+$0xFFFFF800] =	vst v4  }
0x14a: {  	v4 =	vld.idx.msk [tilespmem:v5+s3+$0x0], $0xffff;
	_ =	sdelay $0x1  }
0x14b: {  	v5 =	vadd.s32 $0x800, v3;
	_ =	sdelay $0x2  }
0x14c: {  	s24 =	sand.u32 $0x3F0, s24  }
0x14d: {  	[tilespmem:s24+$0x4400] =	vst v4  }
0x14e: {  	v4 =	vld.idx.msk [tilespmem:v5+s3+$0x0], $0xffff;
	_ =	sdelay $0x1  }
0x14f: {  	v5 =	vadd.s32 $0xC00, v3;
	_ =	sdelay $0x3  }
0x150: {  	[tilespmem:s22+$0x0] =	vst v4  }
0x151: {  	v4 =	vld.idx.msk [tilespmem:v5+s3+$0x0], $0xffff;
	_ =	sdelay $0x1  }
0x152: {  	v5 =	vadd.s32 $0x1000, v3;
	_ =	sdelay $0x3  }
0x153: {  	[tilespmem:s24+$0x4C00] =	vst v4  }
0x154: {  	v4 =	vld.idx.msk [tilespmem:v5+s3+$0x0], $0xffff;
	_ =	sdelay $0x1  }
0x155: {  	v5 =	vadd.s32 $0x1400, v3;
	_ =	sdelay $0x3  }
0x156: {  	[tilespmem:s24+$0x5000] =	vst v4  }
0x157: {  	v4 =	vld.idx.msk [tilespmem:v5+s3+$0x0], $0xffff;
	_ =	sdelay $0x1  }
0x158: {  	v5 =	vadd.s32 $0x1800, v3;
	_ =	sdelay $0x3  }
0x159: {  	[tilespmem:s24+$0x5400] =	vst v4  }
0x15a: {  	v4 =	vld.idx.msk [tilespmem:v5+s3+$0x0], $0xffff;
	_ =	sdelay $0x1  }
0x15b: {  	v3 =	vadd.s32 $0x1C00, v3  }
.Ltmp4:
0x15c: {  	(pc) =	sbr.rel @p0 .LBB2_10-.Ltmp4, $3  }
0x15d: {  	_ =	sdelay $0x1  }
0x15e: {  	[tilespmem:s24+$0x5800] =	vst v4  }
0x15f: {  	v3 =	vld.idx.msk [tilespmem:v3+s3+$0x0], $0xffff  }
0x160: {  	_ =	sdelay $0x3  }
0x161: {  	s23 =	simm.s32 $0x0;
	[tilespmem:s24+$0x5C00] =	vst v3  }
0x162: {  	[hbm4b:s9+s23] =	stream.linear.scatter [tilespmem:s19], [sflag:$0x1], $0x2000, $0x38;
	[tilespmem:$0xA400] =	vst v63  }
0x163: {  	_ =	swait.ge [sflag:s16], $0x2000  }
0x164: {  	[sflag:s16] =	ssyncset.done $0x0  }
0x165: {  	s21 =	simm.s32 $0x2C00;
	[sflag:s16] =	ssyncadd.s32 $0xFFFFE000  }
0x166: {  	v3 =	vld [tilespmem:s21+$0x0];
	_ =	sdelay $0x7  }
0x167: {  	v4 =	vld.idx.msk [tilespmem:v3+s3+$0x0], $0xffff  }
0x168: {  	v5 =	vadd.s32 $0x400, v3;
	_ =	sdelay $0x2  }
0x169: {  	s22 =	simm.s32 $0x4C00  }
0x16a: {  	[tilespmem:s22+$0xFFFFF400] =	vst v4  }
0x16b: {  	v4 =	vld.idx.msk [tilespmem:v5+s3+$0x0], $0xffff  }
0x16c: {  	v5 =	vadd.s32 $0x800, v3;
	_ =	sdelay $0x2  }
0x16d: {  	s24 =	sand.u32 $0x3F0, s23  }
0x16e: {  	[tilespmem:s24+$0x4400] =	vst v4  }
0x16f: {  	v4 =	vld.idx.msk [tilespmem:v5+s3+$0x0], $0xffff  }
0x170: {  	v5 =	vadd.s32 $0xC00, v3;
	_ =	sdelay $0x3  }
0x171: {  	[tilespmem:s24+$0x4800] =	vst v4  }
0x172: {  	v4 =	vld.idx.msk [tilespmem:v5+s3+$0x0], $0xffff  }
0x173: {  	v5 =	vadd.s32 $0x1000, v3;
	_ =	sdelay $0x3  }
0x174: {  	[tilespmem:s22+$0x0] =	vst v4  }
0x175: {  	v4 =	vld.idx.msk [tilespmem:v5+s3+$0x0], $0xffff  }
0x176: {  	v5 =	vadd.s32 $0x1400, v3;
	_ =	sdelay $0x3  }
0x177: {  	[tilespmem:s24+$0x5000] =	vst v4  }
0x178: {  	v4 =	vld.idx.msk [tilespmem:v5+s3+$0x0], $0xffff  }
0x179: {  	v5 =	vadd.s32 $0x1800, v3;
	_ =	sdelay $0x3  }
0x17a: {  	[tilespmem:s24+$0x5400] =	vst v4  }
0x17b: {  	v4 =	vld.idx.msk [tilespmem:v5+s3+$0x0], $0xffff  }
0x17c: {  	v3 =	vadd.s32 $0x1C00, v3;
	_ =	sdelay $0x3  }
0x17d: {  	[tilespmem:s24+$0x5800] =	vst v4  }
0x17e: {  	s23 =	simm.s32 $0x10;
	v3 =	vld.idx.msk [tilespmem:v3+s3+$0x0], $0xffff  }
.LBB2_12:
0x17f: {  	_ =	sdelay $0x3  }
0x180: {  	p0 =	sne.s32 s23, $0x3F0;
	s22 =	sadd.s32 $0x10, s22;
	s21 =	sadd.s32 $0x10, s21;
	[tilespmem:s24+$0x5C00] =	vst v3  }
0x181: {  	s24 =	smov.u32 s23;
	s23 =	sadd.s32 $0x10, s23;
	v3 =	vld [tilespmem:s21+$0x0];
	_ =	sdelay $0x7  }
0x182: {  	v4 =	vld.idx.msk [tilespmem:v3+s3+$0x0], $0xffff;
	_ =	sdelay $0x1  }
0x183: {  	v5 =	vadd.s32 $0x400, v3;
	_ =	sdelay $0x3  }
0x184: {  	[tilespmem:s22+$0xFFFFF400] =	vst v4  }
0x185: {  	v4 =	vld.idx.msk [tilespmem:v5+s3+$0x0], $0xffff;
	_ =	sdelay $0x1  }
0x186: {  	v5 =	vadd.s32 $0x800, v3;
	_ =	sdelay $0x2  }
0x187: {  	s24 =	sand.u32 $0x3F0, s24  }
0x188: {  	[tilespmem:s24+$0x4400] =	vst v4  }
0x189: {  	v4 =	vld.idx.msk [tilespmem:v5+s3+$0x0], $0xffff;
	_ =	sdelay $0x1  }
0x18a: {  	v5 =	vadd.s32 $0xC00, v3;
	_ =	sdelay $0x3  }
0x18b: {  	[tilespmem:s24+$0x4800] =	vst v4  }
0x18c: {  	v4 =	vld.idx.msk [tilespmem:v5+s3+$0x0], $0xffff;
	_ =	sdelay $0x1  }
0x18d: {  	v5 =	vadd.s32 $0x1000, v3;
	_ =	sdelay $0x3  }
0x18e: {  	[tilespmem:s22+$0x0] =	vst v4  }
0x18f: {  	v4 =	vld.idx.msk [tilespmem:v5+s3+$0x0], $0xffff;
	_ =	sdelay $0x1  }
0x190: {  	v5 =	vadd.s32 $0x1400, v3;
	_ =	sdelay $0x3  }
0x191: {  	[tilespmem:s24+$0x5000] =	vst v4  }
0x192: {  	v4 =	vld.idx.msk [tilespmem:v5+s3+$0x0], $0xffff;
	_ =	sdelay $0x1  }
0x193: {  	v5 =	vadd.s32 $0x1800, v3;
	_ =	sdelay $0x3  }
0x194: {  	[tilespmem:s24+$0x5400] =	vst v4  }
0x195: {  	v4 =	vld.idx.msk [tilespmem:v5+s3+$0x0], $0xffff;
	_ =	sdelay $0x1  }
0x196: {  	v3 =	vadd.s32 $0x1C00, v3  }
.Ltmp5:
0x197: {  	(pc) =	sbr.rel @p0 .LBB2_12-.Ltmp5, $3  }
0x198: {  	_ =	sdelay $0x1  }
0x199: {  	[tilespmem:s24+$0x5800] =	vst v4  }
0x19a: {  	v3 =	vld.idx.msk [tilespmem:v3+s3+$0x0], $0xffff  }
0x19b: {  	_ =	sdelay $0x3  }
0x19c: {  	s23 =	simm.s32 $0x0;
	[tilespmem:s24+$0x5C00] =	vst v3  }
0x19d: {  	[hbm4b:s10+s23] =	stream.linear.scatter [tilespmem:s19], [sflag:$0x1], $0x2000, $0x38;
	[tilespmem:$0xA400] =	vst v63  }
0x19e: {  	_ =	swait.ge [sflag:s16], $0x2000  }
0x19f: {  	[sflag:s16] =	ssyncset.done $0x0  }
0x1a0: {  	s21 =	simm.s32 $0x3000;
	[sflag:s16] =	ssyncadd.s32 $0xFFFFE000  }
0x1a1: {  	v3 =	vld [tilespmem:s21+$0x0];
	_ =	sdelay $0x7  }
0x1a2: {  	v4 =	vld.idx.msk [tilespmem:v3+s3+$0x0], $0xffff  }
0x1a3: {  	v5 =	vadd.s32 $0x400, v3;
	_ =	sdelay $0x2  }
0x1a4: {  	s22 =	simm.s32 $0x5000  }
0x1a5: {  	[tilespmem:s22+$0xFFFFF000] =	vst v4  }
0x1a6: {  	v4 =	vld.idx.msk [tilespmem:v5+s3+$0x0], $0xffff  }
0x1a7: {  	v5 =	vadd.s32 $0x800, v3;
	_ =	sdelay $0x2  }
0x1a8: {  	s24 =	sand.u32 $0x3F0, s23  }
0x1a9: {  	[tilespmem:s24+$0x4400] =	vst v4  }
0x1aa: {  	v4 =	vld.idx.msk [tilespmem:v5+s3+$0x0], $0xffff  }
0x1ab: {  	v5 =	vadd.s32 $0xC00, v3;
	_ =	sdelay $0x3  }
0x1ac: {  	[tilespmem:s24+$0x4800] =	vst v4  }
0x1ad: {  	v4 =	vld.idx.msk [tilespmem:v5+s3+$0x0], $0xffff  }
0x1ae: {  	v5 =	vadd.s32 $0x1000, v3;
	_ =	sdelay $0x3  }
0x1af: {  	[tilespmem:s24+$0x4C00] =	vst v4  }
0x1b0: {  	v4 =	vld.idx.msk [tilespmem:v5+s3+$0x0], $0xffff  }
0x1b1: {  	v5 =	vadd.s32 $0x1400, v3;
	_ =	sdelay $0x3  }
0x1b2: {  	[tilespmem:s22+$0x0] =	vst v4  }
0x1b3: {  	v4 =	vld.idx.msk [tilespmem:v5+s3+$0x0], $0xffff  }
0x1b4: {  	v5 =	vadd.s32 $0x1800, v3;
	_ =	sdelay $0x3  }
0x1b5: {  	[tilespmem:s24+$0x5400] =	vst v4  }
0x1b6: {  	v4 =	vld.idx.msk [tilespmem:v5+s3+$0x0], $0xffff  }
0x1b7: {  	v3 =	vadd.s32 $0x1C00, v3;
	_ =	sdelay $0x3  }
0x1b8: {  	[tilespmem:s24+$0x5800] =	vst v4  }
0x1b9: {  	s23 =	simm.s32 $0x10;
	v3 =	vld.idx.msk [tilespmem:v3+s3+$0x0], $0xffff  }
.LBB2_14:
0x1ba: {  	_ =	sdelay $0x3  }
0x1bb: {  	p0 =	sne.s32 s23, $0x3F0;
	s22 =	sadd.s32 $0x10, s22;
	s21 =	sadd.s32 $0x10, s21;
	[tilespmem:s24+$0x5C00] =	vst v3  }
0x1bc: {  	s24 =	smov.u32 s23;
	s23 =	sadd.s32 $0x10, s23;
	v3 =	vld [tilespmem:s21+$0x0];
	_ =	sdelay $0x7  }
0x1bd: {  	v4 =	vld.idx.msk [tilespmem:v3+s3+$0x0], $0xffff;
	_ =	sdelay $0x1  }
0x1be: {  	v5 =	vadd.s32 $0x400, v3;
	_ =	sdelay $0x3  }
0x1bf: {  	[tilespmem:s22+$0xFFFFF000] =	vst v4  }
0x1c0: {  	v4 =	vld.idx.msk [tilespmem:v5+s3+$0x0], $0xffff;
	_ =	sdelay $0x1  }
0x1c1: {  	v5 =	vadd.s32 $0x800, v3;
	_ =	sdelay $0x2  }
0x1c2: {  	s24 =	sand.u32 $0x3F0, s24  }
0x1c3: {  	[tilespmem:s24+$0x4400] =	vst v4  }
0x1c4: {  	v4 =	vld.idx.msk [tilespmem:v5+s3+$0x0], $0xffff;
	_ =	sdelay $0x1  }
0x1c5: {  	v5 =	vadd.s32 $0xC00, v3;
	_ =	sdelay $0x3  }
0x1c6: {  	[tilespmem:s24+$0x4800] =	vst v4  }
0x1c7: {  	v4 =	vld.idx.msk [tilespmem:v5+s3+$0x0], $0xffff;
	_ =	sdelay $0x1  }
0x1c8: {  	v5 =	vadd.s32 $0x1000, v3;
	_ =	sdelay $0x3  }
0x1c9: {  	[tilespmem:s24+$0x4C00] =	vst v4  }
0x1ca: {  	v4 =	vld.idx.msk [tilespmem:v5+s3+$0x0], $0xffff;
	_ =	sdelay $0x1  }
0x1cb: {  	v5 =	vadd.s32 $0x1400, v3;
	_ =	sdelay $0x3  }
0x1cc: {  	[tilespmem:s22+$0x0] =	vst v4  }
0x1cd: {  	v4 =	vld.idx.msk [tilespmem:v5+s3+$0x0], $0xffff;
	_ =	sdelay $0x1  }
0x1ce: {  	v5 =	vadd.s32 $0x1800, v3;
	_ =	sdelay $0x3  }
0x1cf: {  	[tilespmem:s24+$0x5400] =	vst v4  }
0x1d0: {  	v4 =	vld.idx.msk [tilespmem:v5+s3+$0x0], $0xffff;
	_ =	sdelay $0x1  }
0x1d1: {  	v3 =	vadd.s32 $0x1C00, v3  }
.Ltmp6:
0x1d2: {  	(pc) =	sbr.rel @p0 .LBB2_14-.Ltmp6, $3  }
0x1d3: {  	_ =	sdelay $0x1  }
0x1d4: {  	[tilespmem:s24+$0x5800] =	vst v4  }
0x1d5: {  	v3 =	vld.idx.msk [tilespmem:v3+s3+$0x0], $0xffff  }
0x1d6: {  	_ =	sdelay $0x3  }
0x1d7: {  	s23 =	simm.s32 $0x0;
	[tilespmem:s24+$0x5C00] =	vst v3  }
0x1d8: {  	[hbm4b:s11+s23] =	stream.linear.scatter [tilespmem:s19], [sflag:$0x1], $0x2000, $0x38;
	[tilespmem:$0xA400] =	vst v63  }
0x1d9: {  	_ =	swait.ge [sflag:s16], $0x2000  }
0x1da: {  	[sflag:s16] =	ssyncset.done $0x0  }
0x1db: {  	s21 =	simm.s32 $0x3400;
	[sflag:s16] =	ssyncadd.s32 $0xFFFFE000  }
0x1dc: {  	v3 =	vld [tilespmem:s21+$0x0];
	_ =	sdelay $0x7  }
0x1dd: {  	v4 =	vld.idx.msk [tilespmem:v3+s3+$0x0], $0xffff  }
0x1de: {  	v5 =	vadd.s32 $0x400, v3;
	_ =	sdelay $0x2  }
0x1df: {  	s22 =	simm.s32 $0x5400  }
0x1e0: {  	[tilespmem:s22+$0xFFFFEC00] =	vst v4  }
0x1e1: {  	v4 =	vld.idx.msk [tilespmem:v5+s3+$0x0], $0xffff  }
0x1e2: {  	v5 =	vadd.s32 $0x800, v3;
	_ =	sdelay $0x2  }
0x1e3: {  	s24 =	sand.u32 $0x3F0, s23  }
0x1e4: {  	[tilespmem:s24+$0x4400] =	vst v4  }
0x1e5: {  	v4 =	vld.idx.msk [tilespmem:v5+s3+$0x0], $0xffff  }
0x1e6: {  	v5 =	vadd.s32 $0xC00, v3;
	_ =	sdelay $0x3  }
0x1e7: {  	[tilespmem:s24+$0x4800] =	vst v4  }
0x1e8: {  	v4 =	vld.idx.msk [tilespmem:v5+s3+$0x0], $0xffff  }
0x1e9: {  	v5 =	vadd.s32 $0x1000, v3;
	_ =	sdelay $0x3  }
0x1ea: {  	[tilespmem:s24+$0x4C00] =	vst v4  }
0x1eb: {  	v4 =	vld.idx.msk [tilespmem:v5+s3+$0x0], $0xffff  }
0x1ec: {  	v5 =	vadd.s32 $0x1400, v3;
	_ =	sdelay $0x3  }
0x1ed: {  	[tilespmem:s24+$0x5000] =	vst v4  }
0x1ee: {  	v4 =	vld.idx.msk [tilespmem:v5+s3+$0x0], $0xffff  }
0x1ef: {  	v5 =	vadd.s32 $0x1800, v3;
	_ =	sdelay $0x3  }
0x1f0: {  	[tilespmem:s22+$0x0] =	vst v4  }
0x1f1: {  	v4 =	vld.idx.msk [tilespmem:v5+s3+$0x0], $0xffff  }
0x1f2: {  	v3 =	vadd.s32 $0x1C00, v3;
	_ =	sdelay $0x3  }
0x1f3: {  	[tilespmem:s24+$0x5800] =	vst v4  }
0x1f4: {  	s23 =	simm.s32 $0x10;
	v3 =	vld.idx.msk [tilespmem:v3+s3+$0x0], $0xffff  }
.LBB2_16:
0x1f5: {  	_ =	sdelay $0x3  }
0x1f6: {  	p0 =	sne.s32 s23, $0x3F0;
	s22 =	sadd.s32 $0x10, s22;
	s21 =	sadd.s32 $0x10, s21;
	[tilespmem:s24+$0x5C00] =	vst v3  }
0x1f7: {  	s24 =	smov.u32 s23;
	s23 =	sadd.s32 $0x10, s23;
	v3 =	vld [tilespmem:s21+$0x0];
	_ =	sdelay $0x7  }
0x1f8: {  	v4 =	vld.idx.msk [tilespmem:v3+s3+$0x0], $0xffff;
	_ =	sdelay $0x1  }
0x1f9: {  	v5 =	vadd.s32 $0x400, v3;
	_ =	sdelay $0x3  }
0x1fa: {  	[tilespmem:s22+$0xFFFFEC00] =	vst v4  }
0x1fb: {  	v4 =	vld.idx.msk [tilespmem:v5+s3+$0x0], $0xffff;
	_ =	sdelay $0x1  }
0x1fc: {  	v5 =	vadd.s32 $0x800, v3;
	_ =	sdelay $0x2  }
0x1fd: {  	s24 =	sand.u32 $0x3F0, s24  }
0x1fe: {  	[tilespmem:s24+$0x4400] =	vst v4  }
0x1ff: {  	v4 =	vld.idx.msk [tilespmem:v5+s3+$0x0], $0xffff;
	_ =	sdelay $0x1  }
0x200: {  	v5 =	vadd.s32 $0xC00, v3;
	_ =	sdelay $0x3  }
0x201: {  	[tilespmem:s24+$0x4800] =	vst v4  }
0x202: {  	v4 =	vld.idx.msk [tilespmem:v5+s3+$0x0], $0xffff;
	_ =	sdelay $0x1  }
0x203: {  	v5 =	vadd.s32 $0x1000, v3;
	_ =	sdelay $0x3  }
0x204: {  	[tilespmem:s24+$0x4C00] =	vst v4  }
0x205: {  	v4 =	vld.idx.msk [tilespmem:v5+s3+$0x0], $0xffff;
	_ =	sdelay $0x1  }
0x206: {  	v5 =	vadd.s32 $0x1400, v3;
	_ =	sdelay $0x3  }
0x207: {  	[tilespmem:s24+$0x5000] =	vst v4  }
0x208: {  	v4 =	vld.idx.msk [tilespmem:v5+s3+$0x0], $0xffff;
	_ =	sdelay $0x1  }
0x209: {  	v5 =	vadd.s32 $0x1800, v3;
	_ =	sdelay $0x3  }
0x20a: {  	[tilespmem:s22+$0x0] =	vst v4  }
0x20b: {  	v4 =	vld.idx.msk [tilespmem:v5+s3+$0x0], $0xffff;
	_ =	sdelay $0x1  }
0x20c: {  	v3 =	vadd.s32 $0x1C00, v3  }
.Ltmp7:
0x20d: {  	(pc) =	sbr.rel @p0 .LBB2_16-.Ltmp7, $3  }
0x20e: {  	_ =	sdelay $0x1  }
0x20f: {  	[tilespmem:s24+$0x5800] =	vst v4  }
0x210: {  	v3 =	vld.idx.msk [tilespmem:v3+s3+$0x0], $0xffff  }
0x211: {  	_ =	sdelay $0x3  }
0x212: {  	s23 =	simm.s32 $0x0;
	[tilespmem:s24+$0x5C00] =	vst v3  }
0x213: {  	[hbm4b:s12+s23] =	stream.linear.scatter [tilespmem:s19], [sflag:$0x1], $0x2000, $0x38;
	[tilespmem:$0xA400] =	vst v63  }
0x214: {  	_ =	swait.ge [sflag:s16], $0x2000  }
0x215: {  	[sflag:s16] =	ssyncset.done $0x0  }
0x216: {  	s21 =	simm.s32 $0x3800;
	[sflag:s16] =	ssyncadd.s32 $0xFFFFE000  }
0x217: {  	v3 =	vld [tilespmem:s21+$0x0];
	_ =	sdelay $0x7  }
0x218: {  	v4 =	vld.idx.msk [tilespmem:v3+s3+$0x0], $0xffff  }
0x219: {  	v5 =	vadd.s32 $0x400, v3;
	_ =	sdelay $0x2  }
0x21a: {  	s22 =	simm.s32 $0x5800  }
0x21b: {  	[tilespmem:s22+$0xFFFFE800] =	vst v4  }
0x21c: {  	v4 =	vld.idx.msk [tilespmem:v5+s3+$0x0], $0xffff  }
0x21d: {  	v5 =	vadd.s32 $0x800, v3;
	_ =	sdelay $0x2  }
0x21e: {  	s24 =	sand.u32 $0x3F0, s23  }
0x21f: {  	[tilespmem:s24+$0x4400] =	vst v4  }
0x220: {  	v4 =	vld.idx.msk [tilespmem:v5+s3+$0x0], $0xffff  }
0x221: {  	v5 =	vadd.s32 $0xC00, v3;
	_ =	sdelay $0x3  }
0x222: {  	[tilespmem:s24+$0x4800] =	vst v4  }
0x223: {  	v4 =	vld.idx.msk [tilespmem:v5+s3+$0x0], $0xffff  }
0x224: {  	v5 =	vadd.s32 $0x1000, v3;
	_ =	sdelay $0x3  }
0x225: {  	[tilespmem:s24+$0x4C00] =	vst v4  }
0x226: {  	v4 =	vld.idx.msk [tilespmem:v5+s3+$0x0], $0xffff  }
0x227: {  	v5 =	vadd.s32 $0x1400, v3;
	_ =	sdelay $0x3  }
0x228: {  	[tilespmem:s24+$0x5000] =	vst v4  }
0x229: {  	v4 =	vld.idx.msk [tilespmem:v5+s3+$0x0], $0xffff  }
0x22a: {  	v5 =	vadd.s32 $0x1800, v3;
	_ =	sdelay $0x3  }
0x22b: {  	[tilespmem:s24+$0x5400] =	vst v4  }
0x22c: {  	v4 =	vld.idx.msk [tilespmem:v5+s3+$0x0], $0xffff  }
0x22d: {  	v3 =	vadd.s32 $0x1C00, v3;
	_ =	sdelay $0x3  }
0x22e: {  	[tilespmem:s22+$0x0] =	vst v4  }
0x22f: {  	s23 =	simm.s32 $0x10;
	v3 =	vld.idx.msk [tilespmem:v3+s3+$0x0], $0xffff  }
.LBB2_18:
0x230: {  	_ =	sdelay $0x3  }
0x231: {  	p0 =	sne.s32 s23, $0x3F0;
	s22 =	sadd.s32 $0x10, s22;
	s21 =	sadd.s32 $0x10, s21;
	[tilespmem:s24+$0x5C00] =	vst v3  }
0x232: {  	s24 =	smov.u32 s23;
	s23 =	sadd.s32 $0x10, s23;
	v3 =	vld [tilespmem:s21+$0x0];
	_ =	sdelay $0x7  }
0x233: {  	v4 =	vld.idx.msk [tilespmem:v3+s3+$0x0], $0xffff;
	_ =	sdelay $0x1  }
0x234: {  	v5 =	vadd.s32 $0x400, v3;
	_ =	sdelay $0x3  }
0x235: {  	[tilespmem:s22+$0xFFFFE800] =	vst v4  }
0x236: {  	v4 =	vld.idx.msk [tilespmem:v5+s3+$0x0], $0xffff;
	_ =	sdelay $0x1  }
0x237: {  	v5 =	vadd.s32 $0x800, v3;
	_ =	sdelay $0x2  }
0x238: {  	s24 =	sand.u32 $0x3F0, s24  }
0x239: {  	[tilespmem:s24+$0x4400] =	vst v4  }
0x23a: {  	v4 =	vld.idx.msk [tilespmem:v5+s3+$0x0], $0xffff;
	_ =	sdelay $0x1  }
0x23b: {  	v5 =	vadd.s32 $0xC00, v3;
	_ =	sdelay $0x3  }
0x23c: {  	[tilespmem:s24+$0x4800] =	vst v4  }
0x23d: {  	v4 =	vld.idx.msk [tilespmem:v5+s3+$0x0], $0xffff;
	_ =	sdelay $0x1  }
0x23e: {  	v5 =	vadd.s32 $0x1000, v3;
	_ =	sdelay $0x3  }
0x23f: {  	[tilespmem:s24+$0x4C00] =	vst v4  }
0x240: {  	v4 =	vld.idx.msk [tilespmem:v5+s3+$0x0], $0xffff;
	_ =	sdelay $0x1  }
0x241: {  	v5 =	vadd.s32 $0x1400, v3;
	_ =	sdelay $0x3  }
0x242: {  	[tilespmem:s24+$0x5000] =	vst v4  }
0x243: {  	v4 =	vld.idx.msk [tilespmem:v5+s3+$0x0], $0xffff;
	_ =	sdelay $0x1  }
0x244: {  	v5 =	vadd.s32 $0x1800, v3;
	_ =	sdelay $0x3  }
0x245: {  	[tilespmem:s24+$0x5400] =	vst v4  }
0x246: {  	v4 =	vld.idx.msk [tilespmem:v5+s3+$0x0], $0xffff;
	_ =	sdelay $0x1  }
0x247: {  	v3 =	vadd.s32 $0x1C00, v3  }
.Ltmp8:
0x248: {  	(pc) =	sbr.rel @p0 .LBB2_18-.Ltmp8, $3  }
0x249: {  	_ =	sdelay $0x1  }
0x24a: {  	[tilespmem:s22+$0x0] =	vst v4  }
0x24b: {  	v3 =	vld.idx.msk [tilespmem:v3+s3+$0x0], $0xffff  }
0x24c: {  	_ =	sdelay $0x3  }
0x24d: {  	s23 =	simm.s32 $0x0;
	[tilespmem:s24+$0x5C00] =	vst v3  }
0x24e: {  	[hbm4b:s13+s23] =	stream.linear.scatter [tilespmem:s19], [sflag:$0x1], $0x2000, $0x38;
	[tilespmem:$0xA400] =	vst v63  }
0x24f: {  	_ =	swait.ge [sflag:s16], $0x2000  }
0x250: {  	[sflag:s16] =	ssyncset.done $0x0  }
0x251: {  	s21 =	simm.s32 $0x3C00;
	[sflag:s16] =	ssyncadd.s32 $0xFFFFE000  }
0x252: {  	v3 =	vld [tilespmem:s21+$0x0];
	_ =	sdelay $0x7  }
0x253: {  	v4 =	vld.idx.msk [tilespmem:v3+s3+$0x0], $0xffff  }
0x254: {  	v5 =	vadd.s32 $0x400, v3;
	_ =	sdelay $0x2  }
0x255: {  	s22 =	simm.s32 $0x5C00  }
0x256: {  	[tilespmem:s22+$0xFFFFE400] =	vst v4  }
0x257: {  	v4 =	vld.idx.msk [tilespmem:v5+s3+$0x0], $0xffff  }
0x258: {  	v5 =	vadd.s32 $0x800, v3;
	_ =	sdelay $0x2  }
0x259: {  	s23 =	sand.u32 $0x3F0, s23  }
0x25a: {  	[tilespmem:s23+$0x4400] =	vst v4  }
0x25b: {  	v4 =	vld.idx.msk [tilespmem:v5+s3+$0x0], $0xffff  }
0x25c: {  	v5 =	vadd.s32 $0xC00, v3;
	_ =	sdelay $0x3  }
0x25d: {  	[tilespmem:s23+$0x4800] =	vst v4  }
0x25e: {  	v4 =	vld.idx.msk [tilespmem:v5+s3+$0x0], $0xffff  }
0x25f: {  	v5 =	vadd.s32 $0x1000, v3;
	_ =	sdelay $0x3  }
0x260: {  	[tilespmem:s23+$0x4C00] =	vst v4  }
0x261: {  	v4 =	vld.idx.msk [tilespmem:v5+s3+$0x0], $0xffff  }
0x262: {  	v5 =	vadd.s32 $0x1400, v3;
	_ =	sdelay $0x3  }
0x263: {  	[tilespmem:s23+$0x5000] =	vst v4  }
0x264: {  	v4 =	vld.idx.msk [tilespmem:v5+s3+$0x0], $0xffff  }
0x265: {  	v5 =	vadd.s32 $0x1800, v3;
	_ =	sdelay $0x3  }
0x266: {  	[tilespmem:s23+$0x5400] =	vst v4  }
0x267: {  	v4 =	vld.idx.msk [tilespmem:v5+s3+$0x0], $0xffff  }
0x268: {  	v3 =	vadd.s32 $0x1C00, v3;
	_ =	sdelay $0x3  }
0x269: {  	[tilespmem:s23+$0x5800] =	vst v4  }
0x26a: {  	s23 =	simm.s32 $0x10;
	v3 =	vld.idx.msk [tilespmem:v3+s3+$0x0], $0xffff  }
.LBB2_20:
0x26b: {  	_ =	sdelay $0x3  }
0x26c: {  	p0 =	sne.s32 s23, $0x3F0;
	s21 =	sadd.s32 $0x10, s21;
	[tilespmem:s22+$0x0] =	vst v3;
	s22 =	sadd.s32 $0x10, s22  }
0x26d: {  	s24 =	smov.u32 s23;
	s23 =	sadd.s32 $0x10, s23;
	v3 =	vld [tilespmem:s21+$0x0];
	_ =	sdelay $0x7  }
0x26e: {  	v4 =	vld.idx.msk [tilespmem:v3+s3+$0x0], $0xffff;
	_ =	sdelay $0x1  }
0x26f: {  	v5 =	vadd.s32 $0x400, v3;
	_ =	sdelay $0x3  }
0x270: {  	[tilespmem:s22+$0xFFFFE400] =	vst v4  }
0x271: {  	v4 =	vld.idx.msk [tilespmem:v5+s3+$0x0], $0xffff;
	_ =	sdelay $0x1  }
0x272: {  	v5 =	vadd.s32 $0x800, v3;
	_ =	sdelay $0x2  }
0x273: {  	s24 =	sand.u32 $0x3F0, s24  }
0x274: {  	[tilespmem:s24+$0x4400] =	vst v4  }
0x275: {  	v4 =	vld.idx.msk [tilespmem:v5+s3+$0x0], $0xffff;
	_ =	sdelay $0x1  }
0x276: {  	v5 =	vadd.s32 $0xC00, v3;
	_ =	sdelay $0x3  }
0x277: {  	[tilespmem:s24+$0x4800] =	vst v4  }
0x278: {  	v4 =	vld.idx.msk [tilespmem:v5+s3+$0x0], $0xffff;
	_ =	sdelay $0x1  }
0x279: {  	v5 =	vadd.s32 $0x1000, v3;
	_ =	sdelay $0x3  }
0x27a: {  	[tilespmem:s24+$0x4C00] =	vst v4  }
0x27b: {  	v4 =	vld.idx.msk [tilespmem:v5+s3+$0x0], $0xffff;
	_ =	sdelay $0x1  }
0x27c: {  	v5 =	vadd.s32 $0x1400, v3;
	_ =	sdelay $0x3  }
0x27d: {  	[tilespmem:s24+$0x5000] =	vst v4  }
0x27e: {  	v4 =	vld.idx.msk [tilespmem:v5+s3+$0x0], $0xffff;
	_ =	sdelay $0x1  }
0x27f: {  	v5 =	vadd.s32 $0x1800, v3;
	_ =	sdelay $0x3  }
0x280: {  	[tilespmem:s24+$0x5400] =	vst v4  }
0x281: {  	v4 =	vld.idx.msk [tilespmem:v5+s3+$0x0], $0xffff;
	_ =	sdelay $0x1  }
0x282: {  	v3 =	vadd.s32 $0x1C00, v3  }
.Ltmp9:
0x283: {  	(pc) =	sbr.rel @p0 .LBB2_20-.Ltmp9, $3  }
0x284: {  	_ =	sdelay $0x1  }
0x285: {  	[tilespmem:s24+$0x5800] =	vst v4  }
0x286: {  	v3 =	vld.idx.msk [tilespmem:v3+s3+$0x0], $0xffff  }
0x287: {  	_ =	sdelay $0x1  }
0x288: {  	s20 =	sadd.s32 $0x1, s20  }
0x289: {  	p0 =	sne.s32 s20, s15  }
.Ltmp10:
0x28a: {  	[tilespmem:s22+$0x0] =	vst v3;
	(pc) =	sbr.rel @p0 .LBB2_1-.Ltmp10, $4  }
0x28b: {  	[hbm4b:s14+s3] =	stream.linear.scatter [tilespmem:s19], [sflag:$0x1], $0x2000, $0x38;
	[tilespmem:$0xA400] =	vst v63  }
0x28c: {  	_ =	swait.ge [sflag:s16], $0x2000  }
0x28d: {  	[sflag:s16] =	ssyncset.done $0x0  }
0x28e: {  	[sflag:s16] =	ssyncadd.s32 $0xFFFFE000  }
0x28f: {  	_ =	sfence.sel $0x180000  }
0x290: {  	[bflag:$0x0] =	sbarrier.arrive $0xFFFF  }
0x291: {  	p0 =	sne.s32 s2, $0x0;
	_ =	strace $0x90000047  }
0x292: {  	s0 =	sadd.s32 @!p0 $0x100000, s0;
	[bflag:$0x2] =	sbarrier.arrive $0xFFFF  }
0x293: {  	[sflag:s0] =	ssyncadd.tile.s32 @!p0 $0x1;
	_ =	shalt  }
.Lfunc_end2:
_tile_overlayer_lowered:
.L_overlay_start_2:
0x294: {  	(tag) =	ssettag $0x2  }
0x295: {  	s0 =	rddreg [dreg:$0x0];
	s2 =	stileid.u32  }
0x296: {  	s1 =	rddreg [dreg:$0x1];
	p0 =	sne.s32 s2, $0x0  }
0x297: {  	s3 =	rddreg [dreg:$0x2];
	[bflag:$0x3] =	sbarrier.arrive $0xFFFF;
	s2 =	simm.s32 @!p0 $0x1C01  }
0x298: {  	[timem:s3], [sflag:s2] =	dma.local @!p0 [hbm:s0], s1  }
0x299: {  	s0 =	simm.s32 @!p0 $0x1  }
0x29a: {  	_ =	swait.ge @!p0 [sflag:s0], s1  }
0x29b: {  	s1 =	ssub.s32 @!p0 $0x0, s1;
	[sflag:s0] =	ssyncset.done @!p0 $0x0  }
0x29c: {  	[sflag:s0] =	ssyncadd.s32 @!p0 s1  }
0x29d: {  	[bflag:$0x3] =	sbarrier.arrive $0xFFFF  }
0x29e: {  	_ =	shalt  }

</sc_bundles>
